<compile_context>
chip_gen: v7x
topology: tpu7x:2x2x1
jax: 0.10.2.dev20260603
libtpu: 0.0.44.dev20260713+nightly
codegen_flags: <defaults>
</compile_context>

<pallas_src>
import functools

import jax
import jax.numpy as jnp
from jax import lax
from jax.experimental import pallas as pl
from jax.experimental.pallas import tpu as pltpu
from jax.experimental.pallas import tpu_sc as plsc

VOCAB = 100000
WIDTH = 128
NTOK = 4096 * 200

NC = 2
NS = 16
NW = NC * NS
TOK_PER_W = NTOK // NW
SUB = 128
CHUNK = 256
NCHUNK = TOK_PER_W // CHUNK
NBUF = 3
GDEPTH = 2
SDEPTH = NBUF - GDEPTH
NTAIL = NCHUNK % NBUF + NBUF
NOUTER = (NCHUNK - NTAIL) // NBUF



_BV = 16384


def _transform_body(e_ref, w_ref, out_ref):
    out_ref[...] = lax.dot_general(
        e_ref[...], w_ref[...],
        dimension_numbers=(((1,), (1,)), ((), ())),
        preferred_element_type=jnp.float32,
    )


def _transform_table(emb_table, lin_weight):
    return pl.pallas_call(
        _transform_body,
        grid=(pl.cdiv(VOCAB, _BV),),
        in_specs=[
            pl.BlockSpec((_BV, WIDTH), lambda i: (i, 0)),
            pl.BlockSpec((WIDTH, WIDTH), lambda i: (0, 0)),
        ],
        out_specs=pl.BlockSpec((_BV, WIDTH), lambda i: (i, 0)),
        out_shape=jax.ShapeDtypeStruct((VOCAB, WIDTH), jnp.float32),
    )(emb_table, lin_weight)




def _sc_gather_body(table_hbm, ids_hbm, out_hbm, losspart_hbm,
                    idx_all, rows_v, acc_v, gsem, ssem):
    wid = lax.axis_index("s") * NC + lax.axis_index("c")
    base = wid * TOK_PER_W

    pltpu.sync_copy(ids_hbm.at[pl.ds(base, TOK_PER_W)], idx_all)

    def idx_at(c, h):
        return idx_all.at[pl.ds(c * CHUNK + h * SUB, SUB)]

    def start_gathers(c, b):
        for h in range(CHUNK // SUB):
            pltpu.async_copy(table_hbm.at[idx_at(c, h)],
                             rows_v.at[b, pl.ds(h * SUB, SUB)], gsem)

    def wait_gathers(c, b):
        for h in range(CHUNK // SUB):
            pltpu.make_async_copy(table_hbm.at[idx_at(c, h)],
                                  rows_v.at[b, pl.ds(h * SUB, SUB)], gsem).wait()

    def scatter_copy(c, b):
        return pltpu.make_async_copy(
            rows_v.at[b], out_hbm.at[pl.ds(base + c * CHUNK, CHUNK)], ssem)

    for b in range(GDEPTH):
        start_gathers(b, b)

    def step(c, b, acc, do_swait, do_gstart):
        wait_gathers(c, b)
        scatter_copy(c, b).start()

        def row_loop(r, a):
            return tuple(
                a[k] + rows_v[b, r, pl.ds(k * 16, 16)]
                for k in range(WIDTH // 16)
            )

        acc = lax.fori_loop(0, CHUNK, row_loop, acc)
        if do_swait:
            scatter_copy(c - SDEPTH, (b - SDEPTH) % NBUF).wait()
        if do_gstart:
            start_gathers(c + GDEPTH, (b + GDEPTH) % NBUF)
        return acc

    acc = tuple(jnp.zeros((16,), jnp.float32) for _ in range(WIDTH // 16))
    for b in range(NBUF):
        acc = step(b, b, acc, do_swait=b >= SDEPTH, do_gstart=True)

    def outer(i, acc):
        c0 = i * NBUF
        for b in range(NBUF):
            acc = step(c0 + b, b, acc, do_swait=True, do_gstart=True)
        return acc

    acc = lax.fori_loop(1, NOUTER, outer, acc)

    c0 = NOUTER * NBUF
    for t in range(NTAIL):
        c = c0 + t
        acc = step(c, c % NBUF, acc, do_swait=True,
                   do_gstart=c + GDEPTH < NCHUNK)
    for c in range(NCHUNK - SDEPTH, NCHUNK):
        scatter_copy(c, c % NBUF).wait()

    total = acc[0]
    for k in range(1, WIDTH // 16):
        total = total + acc[k]
    acc_v[...] = total
    pltpu.sync_copy(acc_v, losspart_hbm.at[pl.ds(wid * 16, 16)])


@functools.lru_cache(maxsize=1)
def _sc_gather_fn():
    mesh = plsc.VectorSubcoreMesh(
        core_axis_name="c", subcore_axis_name="s",
        num_cores=NC, num_subcores=NS,
    )
    return pl.kernel(
        _sc_gather_body,
        out_type=[
            jax.ShapeDtypeStruct((NTOK, WIDTH), jnp.float32),
            jax.ShapeDtypeStruct((NW * 16,), jnp.float32),
        ],
        mesh=mesh,
        scratch_types=[
            pltpu.VMEM((TOK_PER_W,), jnp.int32),
            pltpu.VMEM((NBUF, CHUNK, WIDTH), jnp.float32),
            pltpu.VMEM((16,), jnp.float32),
            pltpu.SemaphoreType.DMA,
            pltpu.SemaphoreType.DMA,
        ],
    )


def kernel(input_ids, emb_table, lin_weight):
    table_t = _transform_table(emb_table, lin_weight)
    ids_flat = input_ids.reshape(NTOK)
    out_flat, loss_parts = _sc_gather_fn()(table_t, ids_flat)
    outputs = out_flat.reshape(input_ids.shape[0], input_ids.shape[1], WIDTH)
    loss = jnp.sum(loss_parts) * (1.0 / (NTOK * WIDTH))
    return outputs, loss

# --- scband reference (transcript-rebuilt; emitter-appended) ---
"""Pipeline reference for scband-sanity-checkfor-pre-training-32212254720257 (READ-ONLY COPY).

The authoritative reference and input builder live on the scoring server;
editing this copy changes nothing except your own understanding.
"""

import jax, jax.numpy as jnp
import numpy as np

VOCAB = 100000
WIDTH = 128
BATCH = 4096
SEQ = 200

def setup_inputs(seed: int = 0) -> dict:
    key = jax.random.key(seed)
    k1, k2, k3 = jax.random.split(key, 3)
    input_ids = jax.random.randint(k1, (BATCH, SEQ), 0, VOCAB, dtype=jnp.int64 if jax.config.jax_enable_x64 else jnp.int32).astype(jnp.int32)
    emb_table = jax.random.normal(k2, (VOCAB, WIDTH), dtype=jnp.float32) * 0.02
    # padding_idx=0: torch zero-initializes that row
    emb_table = emb_table.at[0].set(0.0)
    # torch Linear weight shape [out_features, in_features]
    lin_weight = jax.random.normal(k3, (WIDTH, WIDTH), dtype=jnp.float32) * (1.0 / np.sqrt(WIDTH))
    return {"input_ids": input_ids, "emb_table": emb_table, "lin_weight": lin_weight}

def reference(input_ids, emb_table, lin_weight):
    # embedding lookup (gather)
    embeds = jnp.take(emb_table, input_ids, axis=0)  # [B, S, W]
    # torch Linear (no bias): y = x @ W^T
    outputs = jnp.einsum('bsw,ow->bso', embeds, lin_weight)
    loss = jnp.mean(outputs)
    return (outputs, loss)

if __name__ == "__main__":
    import jax
    _d = setup_inputs()
    print(jax.jit(kernel)(*tuple(_d.values())))

</pallas_src>

<mosaic_0001>
#map = affine_map<(d0, d1) -> (0, 0)>
#map1 = affine_map<(d0, d1) -> (0)>
module attributes {stable_mosaic.version = 14 : i64} {
  func.func @_sc_gather_body(%arg0: i32, %arg1: i32, %arg2: memref<100000x128xf32, #tpu.memory_space<hbm>>, %arg3: memref<819200xi32, #tpu.memory_space<hbm>>, %arg4: memref<819200x128xf32, #tpu.memory_space<hbm>>, %arg5: memref<512xf32, #tpu.memory_space<hbm>>, %arg6: memref<25600xi32, #tpu.memory_space<vmem>>, %arg7: memref<3x256x128xf32, #tpu.memory_space<vmem>>, %arg8: memref<16xf32, #tpu.memory_space<vmem>>, %arg9: memref<!tpu.dma_semaphore, #tpu.memory_space<semaphore_mem>>, %arg10: memref<!tpu.dma_semaphore, #tpu.memory_space<semaphore_mem>>) attributes {dimension_semantics = [#tpu.dimension_semantics<core_parallel>, #tpu.dimension_semantics<subcore_parallel>], iteration_bounds = array<i64: 2, 16>, scalar_prefetch = 0 : i64, scratch_operands = 5 : i64, tpu.core_type = #tpu.core_type<sc_vector_subcore>, window_params = [{transform_indices = #map}, {transform_indices = #map1}, {transform_indices = #map}, {transform_indices = #map1}]} {
    %mul3A = arith.constant 2 : i32
    %mul3A_0 = arith.muli %arg1, %mul3A : i32
    %add3A = arith.addi %mul3A_0, %arg0 : i32
    %mul3A_1 = arith.constant 25600 : i32
    %mul3A_2 = arith.muli %add3A, %mul3A_1 : i32
    "tpu.region"() ({
      %run_scoped3A = tpu.sem_alloc : memref<!tpu.dma_semaphore, #tpu.memory_space<semaphore_mem>>
      %dma_start3A_565 = tpu.memref_slice %arg3[%mul3A_2] : memref<819200xi32, #tpu.memory_space<hbm>> -> memref<25600xi32, #tpu.memory_space<hbm>>
      %dma_start3A_566 = tpu.memref_slice %arg3[%mul3A_2] : memref<819200xi32, #tpu.memory_space<hbm>> -> memref<25600xi32, #tpu.memory_space<hbm>>
      tpu.enqueue_dma source(%dma_start3A_566 : memref<25600xi32, #tpu.memory_space<hbm>>) target(%arg6 : memref<25600xi32, #tpu.memory_space<vmem>>) target_semaphore(%run_scoped3A : memref<!tpu.dma_semaphore, #tpu.memory_space<semaphore_mem>>)
      %dma_wait3A_567 = tpu.memref_slice %arg3[%mul3A_2] : memref<819200xi32, #tpu.memory_space<hbm>> -> memref<25600xi32, #tpu.memory_space<hbm>>
      %dma_wait3A_568 = tpu.memref_slice %arg3[%mul3A_2] : memref<819200xi32, #tpu.memory_space<hbm>> -> memref<25600xi32, #tpu.memory_space<hbm>>
      tpu.wait_dma2 semaphore(%run_scoped3A : memref<!tpu.dma_semaphore, #tpu.memory_space<semaphore_mem>>) src(%dma_wait3A_568 : memref<25600xi32, #tpu.memory_space<hbm>>) dst(%arg6 : memref<25600xi32, #tpu.memory_space<vmem>>)
      tpu.yield
    }) : () -> ()
    %dma_start3A = arith.constant 0 : i32
    %dma_start3A_3 = arith.constant 0 : i32
    %dma_start3A_4 = arith.constant 0 : i32
    %dma_start3A_5 = tpu.memref_slice %arg7[%dma_start3A, %dma_start3A_3, %dma_start3A_4] : memref<3x256x128xf32, #tpu.memory_space<vmem>> -> memref<1x128x128xf32, #tpu.memory_space<vmem>>
    %dma_start3A_6 = tpu.memref_squeeze %dma_start3A_5 : memref<1x128x128xf32, #tpu.memory_space<vmem>> -> memref<128x128xf32, #tpu.memory_space<vmem>>
    %dma_start3A_7 = arith.constant 0 : i32
    %dma_start3A_8 = tpu.memref_slice %arg6[%dma_start3A_7] : memref<25600xi32, #tpu.memory_space<vmem>> -> memref<128xi32, #tpu.memory_space<vmem>>
    %dma_start3A_9 = arith.constant 0 : i32
    %dma_start3A_10 = arith.constant 0 : i32
    %dma_start3A_11 = tpu.memref_slice %arg2[%dma_start3A_9, %dma_start3A_10] : memref<100000x128xf32, #tpu.memory_space<hbm>> -> memref<100000x128xf32, #tpu.memory_space<hbm>>
    tpu.enqueue_indirect_dma source(%dma_start3A_11 : memref<100000x128xf32, #tpu.memory_space<hbm>>) target(%dma_start3A_6 : memref<128x128xf32, #tpu.memory_space<vmem>>) offsets(%dma_start3A_8 : memref<128xi32, #tpu.memory_space<vmem>>) semaphore(%arg9 : memref<!tpu.dma_semaphore, #tpu.memory_space<semaphore_mem>>)
    %dma_start3A_12 = arith.constant 0 : i32
    %dma_start3A_13 = arith.constant 128 : i32
    %dma_start3A_14 = arith.constant 0 : i32
    %dma_start3A_15 = tpu.memref_slice %arg7[%dma_start3A_12, %dma_start3A_13, %dma_start3A_14] : memref<3x256x128xf32, #tpu.memory_space<vmem>> -> memref<1x128x128xf32, #tpu.memory_space<vmem>>
    %dma_start3A_16 = tpu.memref_squeeze %dma_start3A_15 : memref<1x128x128xf32, #tpu.memory_space<vmem>> -> memref<128x128xf32, #tpu.memory_space<vmem>>
    %dma_start3A_17 = arith.constant 128 : i32
    %dma_start3A_18 = tpu.memref_slice %arg6[%dma_start3A_17] : memref<25600xi32, #tpu.memory_space<vmem>> -> memref<128xi32, #tpu.memory_space<vmem>>
    %dma_start3A_19 = arith.constant 0 : i32
    %dma_start3A_20 = arith.constant 0 : i32
    %dma_start3A_21 = tpu.memref_slice %arg2[%dma_start3A_19, %dma_start3A_20] : memref<100000x128xf32, #tpu.memory_space<hbm>> -> memref<100000x128xf32, #tpu.memory_space<hbm>>
    tpu.enqueue_indirect_dma source(%dma_start3A_21 : memref<100000x128xf32, #tpu.memory_space<hbm>>) target(%dma_start3A_16 : memref<128x128xf32, #tpu.memory_space<vmem>>) offsets(%dma_start3A_18 : memref<128xi32, #tpu.memory_space<vmem>>) semaphore(%arg9 : memref<!tpu.dma_semaphore, #tpu.memory_space<semaphore_mem>>)
    %dma_start3A_22 = arith.constant 1 : i32
    %dma_start3A_23 = arith.constant 0 : i32
    %dma_start3A_24 = arith.constant 0 : i32
    %dma_start3A_25 = tpu.memref_slice %arg7[%dma_start3A_22, %dma_start3A_23, %dma_start3A_24] : memref<3x256x128xf32, #tpu.memory_space<vmem>> -> memref<1x128x128xf32, #tpu.memory_space<vmem>>
    %dma_start3A_26 = tpu.memref_squeeze %dma_start3A_25 : memref<1x128x128xf32, #tpu.memory_space<vmem>> -> memref<128x128xf32, #tpu.memory_space<vmem>>
    %dma_start3A_27 = arith.constant 256 : i32
    %dma_start3A_28 = tpu.memref_slice %arg6[%dma_start3A_27] : memref<25600xi32, #tpu.memory_space<vmem>> -> memref<128xi32, #tpu.memory_space<vmem>>
    %dma_start3A_29 = arith.constant 0 : i32
    %dma_start3A_30 = arith.constant 0 : i32
    %dma_start3A_31 = tpu.memref_slice %arg2[%dma_start3A_29, %dma_start3A_30] : memref<100000x128xf32, #tpu.memory_space<hbm>> -> memref<100000x128xf32, #tpu.memory_space<hbm>>
    tpu.enqueue_indirect_dma source(%dma_start3A_31 : memref<100000x128xf32, #tpu.memory_space<hbm>>) target(%dma_start3A_26 : memref<128x128xf32, #tpu.memory_space<vmem>>) offsets(%dma_start3A_28 : memref<128xi32, #tpu.memory_space<vmem>>) semaphore(%arg9 : memref<!tpu.dma_semaphore, #tpu.memory_space<semaphore_mem>>)
    %dma_start3A_32 = arith.constant 1 : i32
    %dma_start3A_33 = arith.constant 128 : i32
    %dma_start3A_34 = arith.constant 0 : i32
    %dma_start3A_35 = tpu.memref_slice %arg7[%dma_start3A_32, %dma_start3A_33, %dma_start3A_34] : memref<3x256x128xf32, #tpu.memory_space<vmem>> -> memref<1x128x128xf32, #tpu.memory_space<vmem>>
    %dma_start3A_36 = tpu.memref_squeeze %dma_start3A_35 : memref<1x128x128xf32, #tpu.memory_space<vmem>> -> memref<128x128xf32, #tpu.memory_space<vmem>>
    %dma_start3A_37 = arith.constant 384 : i32
    %dma_start3A_38 = tpu.memref_slice %arg6[%dma_start3A_37] : memref<25600xi32, #tpu.memory_space<vmem>> -> memref<128xi32, #tpu.memory_space<vmem>>
    %dma_start3A_39 = arith.constant 0 : i32
    %dma_start3A_40 = arith.constant 0 : i32
    %dma_start3A_41 = tpu.memref_slice %arg2[%dma_start3A_39, %dma_start3A_40] : memref<100000x128xf32, #tpu.memory_space<hbm>> -> memref<100000x128xf32, #tpu.memory_space<hbm>>
    tpu.enqueue_indirect_dma source(%dma_start3A_41 : memref<100000x128xf32, #tpu.memory_space<hbm>>) target(%dma_start3A_36 : memref<128x128xf32, #tpu.memory_space<vmem>>) offsets(%dma_start3A_38 : memref<128xi32, #tpu.memory_space<vmem>>) semaphore(%arg9 : memref<!tpu.dma_semaphore, #tpu.memory_space<semaphore_mem>>)
    %broadcast_in_dim3A = arith.constant 0.000000e+00 : f32
    %broadcast_in_dim3A_42 = vector.broadcast %broadcast_in_dim3A : f32 to vector<16xf32>
    %broadcast_in_dim3A_43 = arith.constant 0.000000e+00 : f32
    %broadcast_in_dim3A_44 = vector.broadcast %broadcast_in_dim3A_43 : f32 to vector<16xf32>
    %broadcast_in_dim3A_45 = arith.constant 0.000000e+00 : f32
    %broadcast_in_dim3A_46 = vector.broadcast %broadcast_in_dim3A_45 : f32 to vector<16xf32>
    %broadcast_in_dim3A_47 = arith.constant 0.000000e+00 : f32
    %broadcast_in_dim3A_48 = vector.broadcast %broadcast_in_dim3A_47 : f32 to vector<16xf32>
    %broadcast_in_dim3A_49 = arith.constant 0.000000e+00 : f32
    %broadcast_in_dim3A_50 = vector.broadcast %broadcast_in_dim3A_49 : f32 to vector<16xf32>
    %broadcast_in_dim3A_51 = arith.constant 0.000000e+00 : f32
    %broadcast_in_dim3A_52 = vector.broadcast %broadcast_in_dim3A_51 : f32 to vector<16xf32>
    %broadcast_in_dim3A_53 = arith.constant 0.000000e+00 : f32
    %broadcast_in_dim3A_54 = vector.broadcast %broadcast_in_dim3A_53 : f32 to vector<16xf32>
    %broadcast_in_dim3A_55 = arith.constant 0.000000e+00 : f32
    %broadcast_in_dim3A_56 = vector.broadcast %broadcast_in_dim3A_55 : f32 to vector<16xf32>
    %dma_wait3A = arith.constant 0 : i32
    %dma_wait3A_57 = arith.constant 0 : i32
    %dma_wait3A_58 = arith.constant 0 : i32
    %dma_wait3A_59 = tpu.memref_slice %arg7[%dma_wait3A, %dma_wait3A_57, %dma_wait3A_58] : memref<3x256x128xf32, #tpu.memory_space<vmem>> -> memref<1x128x128xf32, #tpu.memory_space<vmem>>
    %dma_wait3A_60 = tpu.memref_squeeze %dma_wait3A_59 : memref<1x128x128xf32, #tpu.memory_space<vmem>> -> memref<128x128xf32, #tpu.memory_space<vmem>>
    %dma_wait3A_61 = arith.constant 0 : i32
    %dma_wait3A_62 = tpu.memref_slice %arg6[%dma_wait3A_61] : memref<25600xi32, #tpu.memory_space<vmem>> -> memref<128xi32, #tpu.memory_space<vmem>>
    %dma_wait3A_63 = arith.constant 0 : i32
    %dma_wait3A_64 = arith.constant 0 : i32
    %dma_wait3A_65 = tpu.memref_slice %arg2[%dma_wait3A_63, %dma_wait3A_64] : memref<100000x128xf32, #tpu.memory_space<hbm>> -> memref<100000x128xf32, #tpu.memory_space<hbm>>
    tpu.wait_indirect_dma semaphore(%arg9 : memref<!tpu.dma_semaphore, #tpu.memory_space<semaphore_mem>>) src(%dma_wait3A_65 : memref<100000x128xf32, #tpu.memory_space<hbm>>) dst(%dma_wait3A_60 : memref<128x128xf32, #tpu.memory_space<vmem>>)
    %dma_wait3A_66 = arith.constant 0 : i32
    %dma_wait3A_67 = arith.constant 128 : i32
    %dma_wait3A_68 = arith.constant 0 : i32
    %dma_wait3A_69 = tpu.memref_slice %arg7[%dma_wait3A_66, %dma_wait3A_67, %dma_wait3A_68] : memref<3x256x128xf32, #tpu.memory_space<vmem>> -> memref<1x128x128xf32, #tpu.memory_space<vmem>>
    %dma_wait3A_70 = tpu.memref_squeeze %dma_wait3A_69 : memref<1x128x128xf32, #tpu.memory_space<vmem>> -> memref<128x128xf32, #tpu.memory_space<vmem>>
    %dma_wait3A_71 = arith.constant 128 : i32
    %dma_wait3A_72 = tpu.memref_slice %arg6[%dma_wait3A_71] : memref<25600xi32, #tpu.memory_space<vmem>> -> memref<128xi32, #tpu.memory_space<vmem>>
    %dma_wait3A_73 = arith.constant 0 : i32
    %dma_wait3A_74 = arith.constant 0 : i32
    %dma_wait3A_75 = tpu.memref_slice %arg2[%dma_wait3A_73, %dma_wait3A_74] : memref<100000x128xf32, #tpu.memory_space<hbm>> -> memref<100000x128xf32, #tpu.memory_space<hbm>>
    tpu.wait_indirect_dma semaphore(%arg9 : memref<!tpu.dma_semaphore, #tpu.memory_space<semaphore_mem>>) src(%dma_wait3A_75 : memref<100000x128xf32, #tpu.memory_space<hbm>>) dst(%dma_wait3A_70 : memref<128x128xf32, #tpu.memory_space<vmem>>)
    %add3A_76 = arith.constant 0 : i32
    %add3A_77 = arith.addi %mul3A_2, %add3A_76 : i32
    %dma_start3A_78 = arith.constant 0 : i32
    %dma_start3A_79 = arith.constant 0 : i32
    %dma_start3A_80 = arith.constant 0 : i32
    %dma_start3A_81 = tpu.memref_slice %arg7[%dma_start3A_78, %dma_start3A_79, %dma_start3A_80] : memref<3x256x128xf32, #tpu.memory_space<vmem>> -> memref<1x256x128xf32, #tpu.memory_space<vmem>>
    %dma_start3A_82 = tpu.memref_squeeze %dma_start3A_81 : memref<1x256x128xf32, #tpu.memory_space<vmem>> -> memref<256x128xf32, #tpu.memory_space<vmem>>
    %dma_start3A_83 = arith.constant 0 : i32
    %dma_start3A_84 = tpu.memref_slice %arg4[%add3A_77, %dma_start3A_83] : memref<819200x128xf32, #tpu.memory_space<hbm>> -> memref<256x128xf32, #tpu.memory_space<hbm>>
    %dma_start3A_85 = arith.constant 0 : i32
    %dma_start3A_86 = tpu.memref_slice %arg4[%add3A_77, %dma_start3A_85] : memref<819200x128xf32, #tpu.memory_space<hbm>> -> memref<256x128xf32, #tpu.memory_space<hbm>>
    %dma_start3A_87 = arith.constant 0 : i32
    %dma_start3A_88 = arith.constant 0 : i32
    %dma_start3A_89 = tpu.memref_slice %arg7[%dma_start3A_78, %dma_start3A_87, %dma_start3A_88] : memref<3x256x128xf32, #tpu.memory_space<vmem>> -> memref<1x256x128xf32, #tpu.memory_space<vmem>>
    %dma_start3A_90 = tpu.memref_squeeze %dma_start3A_89 : memref<1x256x128xf32, #tpu.memory_space<vmem>> -> memref<256x128xf32, #tpu.memory_space<vmem>>
    tpu.enqueue_dma source(%dma_start3A_90 : memref<256x128xf32, #tpu.memory_space<vmem>>) target(%dma_start3A_86 : memref<256x128xf32, #tpu.memory_space<hbm>>) target_semaphore(%arg10 : memref<!tpu.dma_semaphore, #tpu.memory_space<semaphore_mem>>)
    %scan3A = arith.constant 0 : i32
    %scan3A_91 = arith.constant 256 : i32
    %scan3A_92 = arith.addi %scan3A, %scan3A_91 : i32
    %scan3A_93 = arith.constant 1 : i32
    %scan3A_94:8 = scf.for %scan3A_565 = %scan3A to %scan3A_92 step %scan3A_93 iter_args(%scan3A_566 = %broadcast_in_dim3A_42, %scan3A_567 = %broadcast_in_dim3A_44, %scan3A_568 = %broadcast_in_dim3A_46, %scan3A_569 = %broadcast_in_dim3A_48, %scan3A_570 = %broadcast_in_dim3A_50, %scan3A_571 = %broadcast_in_dim3A_52, %scan3A_572 = %broadcast_in_dim3A_54, %scan3A_573 = %broadcast_in_dim3A_56) -> (vector<16xf32>, vector<16xf32>, vector<16xf32>, vector<16xf32>, vector<16xf32>, vector<16xf32>, vector<16xf32>, vector<16xf32>)  : i32 {
      %get3A = arith.constant 0 : i32
      %get3A_574 = arith.index_cast %get3A : i32 to index
      %get3A_575 = arith.index_cast %scan3A_565 : i32 to index
      %get3A_576 = arith.constant 0 : index
      %get3A_577 = tpu.vector_load %arg7[%get3A_574, %get3A_575, %get3A_576] {strides = array<i32>} : memref<3x256x128xf32, #tpu.memory_space<vmem>>, vector<1x1x16xf32>,
      %get3A_578 = vector.shape_cast %get3A_577 : vector<1x1x16xf32> to vector<16xf32>
      %add3A_579 = arith.addf %scan3A_566, %get3A_578 : vector<16xf32>
      %get3A_580 = arith.constant 0 : i32
      %get3A_581 = arith.index_cast %get3A_580 : i32 to index
      %get3A_582 = arith.index_cast %scan3A_565 : i32 to index
      %get3A_583 = arith.constant 16 : index
      %get3A_584 = tpu.vector_load %arg7[%get3A_581, %get3A_582, %get3A_583] {strides = array<i32>} : memref<3x256x128xf32, #tpu.memory_space<vmem>>, vector<1x1x16xf32>,
      %get3A_585 = vector.shape_cast %get3A_584 : vector<1x1x16xf32> to vector<16xf32>
      %add3A_586 = arith.addf %scan3A_567, %get3A_585 : vector<16xf32>
      %get3A_587 = arith.constant 0 : i32
      %get3A_588 = arith.index_cast %get3A_587 : i32 to index
      %get3A_589 = arith.index_cast %scan3A_565 : i32 to index
      %get3A_590 = arith.constant 32 : index
      %get3A_591 = tpu.vector_load %arg7[%get3A_588, %get3A_589, %get3A_590] {strides = array<i32>} : memref<3x256x128xf32, #tpu.memory_space<vmem>>, vector<1x1x16xf32>,
      %get3A_592 = vector.shape_cast %get3A_591 : vector<1x1x16xf32> to vector<16xf32>
      %add3A_593 = arith.addf %scan3A_568, %get3A_592 : vector<16xf32>
      %get3A_594 = arith.constant 0 : i32
      %get3A_595 = arith.index_cast %get3A_594 : i32 to index
      %get3A_596 = arith.index_cast %scan3A_565 : i32 to index
      %get3A_597 = arith.constant 48 : index
      %get3A_598 = tpu.vector_load %arg7[%get3A_595, %get3A_596, %get3A_597] {strides = array<i32>} : memref<3x256x128xf32, #tpu.memory_space<vmem>>, vector<1x1x16xf32>,
      %get3A_599 = vector.shape_cast %get3A_598 : vector<1x1x16xf32> to vector<16xf32>
      %add3A_600 = arith.addf %scan3A_569, %get3A_599 : vector<16xf32>
      %get3A_601 = arith.constant 0 : i32
      %get3A_602 = arith.index_cast %get3A_601 : i32 to index
      %get3A_603 = arith.index_cast %scan3A_565 : i32 to index
      %get3A_604 = arith.constant 64 : index
      %get3A_605 = tpu.vector_load %arg7[%get3A_602, %get3A_603, %get3A_604] {strides = array<i32>} : memref<3x256x128xf32, #tpu.memory_space<vmem>>, vector<1x1x16xf32>,
      %get3A_606 = vector.shape_cast %get3A_605 : vector<1x1x16xf32> to vector<16xf32>
      %add3A_607 = arith.addf %scan3A_570, %get3A_606 : vector<16xf32>
      %get3A_608 = arith.constant 0 : i32
      %get3A_609 = arith.index_cast %get3A_608 : i32 to index
      %get3A_610 = arith.index_cast %scan3A_565 : i32 to index
      %get3A_611 = arith.constant 80 : index
      %get3A_612 = tpu.vector_load %arg7[%get3A_609, %get3A_610, %get3A_611] {strides = array<i32>} : memref<3x256x128xf32, #tpu.memory_space<vmem>>, vector<1x1x16xf32>,
      %get3A_613 = vector.shape_cast %get3A_612 : vector<1x1x16xf32> to vector<16xf32>
      %add3A_614 = arith.addf %scan3A_571, %get3A_613 : vector<16xf32>
      %get3A_615 = arith.constant 0 : i32
      %get3A_616 = arith.index_cast %get3A_615 : i32 to index
      %get3A_617 = arith.index_cast %scan3A_565 : i32 to index
      %get3A_618 = arith.constant 96 : index
      %get3A_619 = tpu.vector_load %arg7[%get3A_616, %get3A_617, %get3A_618] {strides = array<i32>} : memref<3x256x128xf32, #tpu.memory_space<vmem>>, vector<1x1x16xf32>,
      %get3A_620 = vector.shape_cast %get3A_619 : vector<1x1x16xf32> to vector<16xf32>
      %add3A_621 = arith.addf %scan3A_572, %get3A_620 : vector<16xf32>
      %get3A_622 = arith.constant 0 : i32
      %get3A_623 = arith.index_cast %get3A_622 : i32 to index
      %get3A_624 = arith.index_cast %scan3A_565 : i32 to index
      %get3A_625 = arith.constant 112 : index
      %get3A_626 = tpu.vector_load %arg7[%get3A_623, %get3A_624, %get3A_625] {strides = array<i32>} : memref<3x256x128xf32, #tpu.memory_space<vmem>>, vector<1x1x16xf32>,
      %get3A_627 = vector.shape_cast %get3A_626 : vector<1x1x16xf32> to vector<16xf32>
      %add3A_628 = arith.addf %scan3A_573, %get3A_627 : vector<16xf32>
      scf.yield %add3A_579, %add3A_586, %add3A_593, %add3A_600, %add3A_607, %add3A_614, %add3A_621, %add3A_628 : vector<16xf32>, vector<16xf32>, vector<16xf32>, vector<16xf32>, vector<16xf32>, vector<16xf32>, vector<16xf32>, vector<16xf32>
    }
    %scan3A_95 = arith.constant 256 : i32
    %dma_start3A_96 = arith.constant 2 : i32
    %dma_start3A_97 = arith.constant 0 : i32
    %dma_start3A_98 = arith.constant 0 : i32
    %dma_start3A_99 = tpu.memref_slice %arg7[%dma_start3A_96, %dma_start3A_97, %dma_start3A_98] : memref<3x256x128xf32, #tpu.memory_space<vmem>> -> memref<1x128x128xf32, #tpu.memory_space<vmem>>
    %dma_start3A_100 = tpu.memref_squeeze %dma_start3A_99 : memref<1x128x128xf32, #tpu.memory_space<vmem>> -> memref<128x128xf32, #tpu.memory_space<vmem>>
    %dma_start3A_101 = arith.constant 512 : i32
    %dma_start3A_102 = tpu.memref_slice %arg6[%dma_start3A_101] : memref<25600xi32, #tpu.memory_space<vmem>> -> memref<128xi32, #tpu.memory_space<vmem>>
    %dma_start3A_103 = arith.constant 0 : i32
    %dma_start3A_104 = arith.constant 0 : i32
    %dma_start3A_105 = tpu.memref_slice %arg2[%dma_start3A_103, %dma_start3A_104] : memref<100000x128xf32, #tpu.memory_space<hbm>> -> memref<100000x128xf32, #tpu.memory_space<hbm>>
    tpu.enqueue_indirect_dma source(%dma_start3A_105 : memref<100000x128xf32, #tpu.memory_space<hbm>>) target(%dma_start3A_100 : memref<128x128xf32, #tpu.memory_space<vmem>>) offsets(%dma_start3A_102 : memref<128xi32, #tpu.memory_space<vmem>>) semaphore(%arg9 : memref<!tpu.dma_semaphore, #tpu.memory_space<semaphore_mem>>)
    %dma_start3A_106 = arith.constant 2 : i32
    %dma_start3A_107 = arith.constant 128 : i32
    %dma_start3A_108 = arith.constant 0 : i32
    %dma_start3A_109 = tpu.memref_slice %arg7[%dma_start3A_106, %dma_start3A_107, %dma_start3A_108] : memref<3x256x128xf32, #tpu.memory_space<vmem>> -> memref<1x128x128xf32, #tpu.memory_space<vmem>>
    %dma_start3A_110 = tpu.memref_squeeze %dma_start3A_109 : memref<1x128x128xf32, #tpu.memory_space<vmem>> -> memref<128x128xf32, #tpu.memory_space<vmem>>
    %dma_start3A_111 = arith.constant 640 : i32
    %dma_start3A_112 = tpu.memref_slice %arg6[%dma_start3A_111] : memref<25600xi32, #tpu.memory_space<vmem>> -> memref<128xi32, #tpu.memory_space<vmem>>
    %dma_start3A_113 = arith.constant 0 : i32
    %dma_start3A_114 = arith.constant 0 : i32
    %dma_start3A_115 = tpu.memref_slice %arg2[%dma_start3A_113, %dma_start3A_114] : memref<100000x128xf32, #tpu.memory_space<hbm>> -> memref<100000x128xf32, #tpu.memory_space<hbm>>
    tpu.enqueue_indirect_dma source(%dma_start3A_115 : memref<100000x128xf32, #tpu.memory_space<hbm>>) target(%dma_start3A_110 : memref<128x128xf32, #tpu.memory_space<vmem>>) offsets(%dma_start3A_112 : memref<128xi32, #tpu.memory_space<vmem>>) semaphore(%arg9 : memref<!tpu.dma_semaphore, #tpu.memory_space<semaphore_mem>>)
    %dma_wait3A_116 = arith.constant 1 : i32
    %dma_wait3A_117 = arith.constant 0 : i32
    %dma_wait3A_118 = arith.constant 0 : i32
    %dma_wait3A_119 = tpu.memref_slice %arg7[%dma_wait3A_116, %dma_wait3A_117, %dma_wait3A_118] : memref<3x256x128xf32, #tpu.memory_space<vmem>> -> memref<1x128x128xf32, #tpu.memory_space<vmem>>
    %dma_wait3A_120 = tpu.memref_squeeze %dma_wait3A_119 : memref<1x128x128xf32, #tpu.memory_space<vmem>> -> memref<128x128xf32, #tpu.memory_space<vmem>>
    %dma_wait3A_121 = arith.constant 256 : i32
    %dma_wait3A_122 = tpu.memref_slice %arg6[%dma_wait3A_121] : memref<25600xi32, #tpu.memory_space<vmem>> -> memref<128xi32, #tpu.memory_space<vmem>>
    %dma_wait3A_123 = arith.constant 0 : i32
    %dma_wait3A_124 = arith.constant 0 : i32
    %dma_wait3A_125 = tpu.memref_slice %arg2[%dma_wait3A_123, %dma_wait3A_124] : memref<100000x128xf32, #tpu.memory_space<hbm>> -> memref<100000x128xf32, #tpu.memory_space<hbm>>
    tpu.wait_indirect_dma semaphore(%arg9 : memref<!tpu.dma_semaphore, #tpu.memory_space<semaphore_mem>>) src(%dma_wait3A_125 : memref<100000x128xf32, #tpu.memory_space<hbm>>) dst(%dma_wait3A_120 : memref<128x128xf32, #tpu.memory_space<vmem>>)
    %dma_wait3A_126 = arith.constant 1 : i32
    %dma_wait3A_127 = arith.constant 128 : i32
    %dma_wait3A_128 = arith.constant 0 : i32
    %dma_wait3A_129 = tpu.memref_slice %arg7[%dma_wait3A_126, %dma_wait3A_127, %dma_wait3A_128] : memref<3x256x128xf32, #tpu.memory_space<vmem>> -> memref<1x128x128xf32, #tpu.memory_space<vmem>>
    %dma_wait3A_130 = tpu.memref_squeeze %dma_wait3A_129 : memref<1x128x128xf32, #tpu.memory_space<vmem>> -> memref<128x128xf32, #tpu.memory_space<vmem>>
    %dma_wait3A_131 = arith.constant 384 : i32
    %dma_wait3A_132 = tpu.memref_slice %arg6[%dma_wait3A_131] : memref<25600xi32, #tpu.memory_space<vmem>> -> memref<128xi32, #tpu.memory_space<vmem>>
    %dma_wait3A_133 = arith.constant 0 : i32
    %dma_wait3A_134 = arith.constant 0 : i32
    %dma_wait3A_135 = tpu.memref_slice %arg2[%dma_wait3A_133, %dma_wait3A_134] : memref<100000x128xf32, #tpu.memory_space<hbm>> -> memref<100000x128xf32, #tpu.memory_space<hbm>>
    tpu.wait_indirect_dma semaphore(%arg9 : memref<!tpu.dma_semaphore, #tpu.memory_space<semaphore_mem>>) src(%dma_wait3A_135 : memref<100000x128xf32, #tpu.memory_space<hbm>>) dst(%dma_wait3A_130 : memref<128x128xf32, #tpu.memory_space<vmem>>)
    %add3A_136 = arith.constant 256 : i32
    %add3A_137 = arith.addi %mul3A_2, %add3A_136 : i32
    %dma_start3A_138 = arith.constant 1 : i32
    %dma_start3A_139 = arith.constant 0 : i32
    %dma_start3A_140 = arith.constant 0 : i32
    %dma_start3A_141 = tpu.memref_slice %arg7[%dma_start3A_138, %dma_start3A_139, %dma_start3A_140] : memref<3x256x128xf32, #tpu.memory_space<vmem>> -> memref<1x256x128xf32, #tpu.memory_space<vmem>>
    %dma_start3A_142 = tpu.memref_squeeze %dma_start3A_141 : memref<1x256x128xf32, #tpu.memory_space<vmem>> -> memref<256x128xf32, #tpu.memory_space<vmem>>
    %dma_start3A_143 = arith.constant 0 : i32
    %dma_start3A_144 = tpu.memref_slice %arg4[%add3A_137, %dma_start3A_143] : memref<819200x128xf32, #tpu.memory_space<hbm>> -> memref<256x128xf32, #tpu.memory_space<hbm>>
    %dma_start3A_145 = arith.constant 0 : i32
    %dma_start3A_146 = tpu.memref_slice %arg4[%add3A_137, %dma_start3A_145] : memref<819200x128xf32, #tpu.memory_space<hbm>> -> memref<256x128xf32, #tpu.memory_space<hbm>>
    %dma_start3A_147 = arith.constant 0 : i32
    %dma_start3A_148 = arith.constant 0 : i32
    %dma_start3A_149 = tpu.memref_slice %arg7[%dma_start3A_138, %dma_start3A_147, %dma_start3A_148] : memref<3x256x128xf32, #tpu.memory_space<vmem>> -> memref<1x256x128xf32, #tpu.memory_space<vmem>>
    %dma_start3A_150 = tpu.memref_squeeze %dma_start3A_149 : memref<1x256x128xf32, #tpu.memory_space<vmem>> -> memref<256x128xf32, #tpu.memory_space<vmem>>
    tpu.enqueue_dma source(%dma_start3A_150 : memref<256x128xf32, #tpu.memory_space<vmem>>) target(%dma_start3A_146 : memref<256x128xf32, #tpu.memory_space<hbm>>) target_semaphore(%arg10 : memref<!tpu.dma_semaphore, #tpu.memory_space<semaphore_mem>>)
    %scan3A_151 = arith.constant 0 : i32
    %scan3A_152 = arith.constant 256 : i32
    %scan3A_153 = arith.addi %scan3A_151, %scan3A_152 : i32
    %scan3A_154 = arith.constant 1 : i32
    %scan3A_155:8 = scf.for %scan3A_565 = %scan3A_151 to %scan3A_153 step %scan3A_154 iter_args(%scan3A_566 = %scan3A_94#0, %scan3A_567 = %scan3A_94#1, %scan3A_568 = %scan3A_94#2, %scan3A_569 = %scan3A_94#3, %scan3A_570 = %scan3A_94#4, %scan3A_571 = %scan3A_94#5, %scan3A_572 = %scan3A_94#6, %scan3A_573 = %scan3A_94#7) -> (vector<16xf32>, vector<16xf32>, vector<16xf32>, vector<16xf32>, vector<16xf32>, vector<16xf32>, vector<16xf32>, vector<16xf32>)  : i32 {
      %get3A = arith.constant 1 : i32
      %get3A_574 = arith.index_cast %get3A : i32 to index
      %get3A_575 = arith.index_cast %scan3A_565 : i32 to index
      %get3A_576 = arith.constant 0 : index
      %get3A_577 = tpu.vector_load %arg7[%get3A_574, %get3A_575, %get3A_576] {strides = array<i32>} : memref<3x256x128xf32, #tpu.memory_space<vmem>>, vector<1x1x16xf32>,
      %get3A_578 = vector.shape_cast %get3A_577 : vector<1x1x16xf32> to vector<16xf32>
      %add3A_579 = arith.addf %scan3A_566, %get3A_578 : vector<16xf32>
      %get3A_580 = arith.constant 1 : i32
      %get3A_581 = arith.index_cast %get3A_580 : i32 to index
      %get3A_582 = arith.index_cast %scan3A_565 : i32 to index
      %get3A_583 = arith.constant 16 : index
      %get3A_584 = tpu.vector_load %arg7[%get3A_581, %get3A_582, %get3A_583] {strides = array<i32>} : memref<3x256x128xf32, #tpu.memory_space<vmem>>, vector<1x1x16xf32>,
      %get3A_585 = vector.shape_cast %get3A_584 : vector<1x1x16xf32> to vector<16xf32>
      %add3A_586 = arith.addf %scan3A_567, %get3A_585 : vector<16xf32>
      %get3A_587 = arith.constant 1 : i32
      %get3A_588 = arith.index_cast %get3A_587 : i32 to index
      %get3A_589 = arith.index_cast %scan3A_565 : i32 to index
      %get3A_590 = arith.constant 32 : index
      %get3A_591 = tpu.vector_load %arg7[%get3A_588, %get3A_589, %get3A_590] {strides = array<i32>} : memref<3x256x128xf32, #tpu.memory_space<vmem>>, vector<1x1x16xf32>,
      %get3A_592 = vector.shape_cast %get3A_591 : vector<1x1x16xf32> to vector<16xf32>
      %add3A_593 = arith.addf %scan3A_568, %get3A_592 : vector<16xf32>
      %get3A_594 = arith.constant 1 : i32
      %get3A_595 = arith.index_cast %get3A_594 : i32 to index
      %get3A_596 = arith.index_cast %scan3A_565 : i32 to index
      %get3A_597 = arith.constant 48 : index
      %get3A_598 = tpu.vector_load %arg7[%get3A_595, %get3A_596, %get3A_597] {strides = array<i32>} : memref<3x256x128xf32, #tpu.memory_space<vmem>>, vector<1x1x16xf32>,
      %get3A_599 = vector.shape_cast %get3A_598 : vector<1x1x16xf32> to vector<16xf32>
      %add3A_600 = arith.addf %scan3A_569, %get3A_599 : vector<16xf32>
      %get3A_601 = arith.constant 1 : i32
      %get3A_602 = arith.index_cast %get3A_601 : i32 to index
      %get3A_603 = arith.index_cast %scan3A_565 : i32 to index
      %get3A_604 = arith.constant 64 : index
      %get3A_605 = tpu.vector_load %arg7[%get3A_602, %get3A_603, %get3A_604] {strides = array<i32>} : memref<3x256x128xf32, #tpu.memory_space<vmem>>, vector<1x1x16xf32>,
      %get3A_606 = vector.shape_cast %get3A_605 : vector<1x1x16xf32> to vector<16xf32>
      %add3A_607 = arith.addf %scan3A_570, %get3A_606 : vector<16xf32>
      %get3A_608 = arith.constant 1 : i32
      %get3A_609 = arith.index_cast %get3A_608 : i32 to index
      %get3A_610 = arith.index_cast %scan3A_565 : i32 to index
      %get3A_611 = arith.constant 80 : index
      %get3A_612 = tpu.vector_load %arg7[%get3A_609, %get3A_610, %get3A_611] {strides = array<i32>} : memref<3x256x128xf32, #tpu.memory_space<vmem>>, vector<1x1x16xf32>,
      %get3A_613 = vector.shape_cast %get3A_612 : vector<1x1x16xf32> to vector<16xf32>
      %add3A_614 = arith.addf %scan3A_571, %get3A_613 : vector<16xf32>
      %get3A_615 = arith.constant 1 : i32
      %get3A_616 = arith.index_cast %get3A_615 : i32 to index
      %get3A_617 = arith.index_cast %scan3A_565 : i32 to index
      %get3A_618 = arith.constant 96 : index
      %get3A_619 = tpu.vector_load %arg7[%get3A_616, %get3A_617, %get3A_618] {strides = array<i32>} : memref<3x256x128xf32, #tpu.memory_space<vmem>>, vector<1x1x16xf32>,
      %get3A_620 = vector.shape_cast %get3A_619 : vector<1x1x16xf32> to vector<16xf32>
      %add3A_621 = arith.addf %scan3A_572, %get3A_620 : vector<16xf32>
      %get3A_622 = arith.constant 1 : i32
      %get3A_623 = arith.index_cast %get3A_622 : i32 to index
      %get3A_624 = arith.index_cast %scan3A_565 : i32 to index
      %get3A_625 = arith.constant 112 : index
      %get3A_626 = tpu.vector_load %arg7[%get3A_623, %get3A_624, %get3A_625] {strides = array<i32>} : memref<3x256x128xf32, #tpu.memory_space<vmem>>, vector<1x1x16xf32>,
      %get3A_627 = vector.shape_cast %get3A_626 : vector<1x1x16xf32> to vector<16xf32>
      %add3A_628 = arith.addf %scan3A_573, %get3A_627 : vector<16xf32>
      scf.yield %add3A_579, %add3A_586, %add3A_593, %add3A_600, %add3A_607, %add3A_614, %add3A_621, %add3A_628 : vector<16xf32>, vector<16xf32>, vector<16xf32>, vector<16xf32>, vector<16xf32>, vector<16xf32>, vector<16xf32>, vector<16xf32>
    }
    %scan3A_156 = arith.constant 256 : i32
    %add3A_157 = arith.constant 0 : i32
    %add3A_158 = arith.addi %mul3A_2, %add3A_157 : i32
    %dma_wait3A_159 = arith.constant 0 : i32
    %dma_wait3A_160 = arith.constant 0 : i32
    %dma_wait3A_161 = arith.constant 0 : i32
    %dma_wait3A_162 = tpu.memref_slice %arg7[%dma_wait3A_159, %dma_wait3A_160, %dma_wait3A_161] : memref<3x256x128xf32, #tpu.memory_space<vmem>> -> memref<1x256x128xf32, #tpu.memory_space<vmem>>
    %dma_wait3A_163 = tpu.memref_squeeze %dma_wait3A_162 : memref<1x256x128xf32, #tpu.memory_space<vmem>> -> memref<256x128xf32, #tpu.memory_space<vmem>>
    %dma_wait3A_164 = arith.constant 0 : i32
    %dma_wait3A_165 = tpu.memref_slice %arg4[%add3A_158, %dma_wait3A_164] : memref<819200x128xf32, #tpu.memory_space<hbm>> -> memref<256x128xf32, #tpu.memory_space<hbm>>
    %dma_wait3A_166 = arith.constant 0 : i32
    %dma_wait3A_167 = tpu.memref_slice %arg4[%add3A_158, %dma_wait3A_166] : memref<819200x128xf32, #tpu.memory_space<hbm>> -> memref<256x128xf32, #tpu.memory_space<hbm>>
    %dma_wait3A_168 = arith.constant 0 : i32
    %dma_wait3A_169 = arith.constant 0 : i32
    %dma_wait3A_170 = tpu.memref_slice %arg7[%dma_wait3A_159, %dma_wait3A_168, %dma_wait3A_169] : memref<3x256x128xf32, #tpu.memory_space<vmem>> -> memref<1x256x128xf32, #tpu.memory_space<vmem>>
    %dma_wait3A_171 = tpu.memref_squeeze %dma_wait3A_170 : memref<1x256x128xf32, #tpu.memory_space<vmem>> -> memref<256x128xf32, #tpu.memory_space<vmem>>
    tpu.wait_dma2 semaphore(%arg10 : memref<!tpu.dma_semaphore, #tpu.memory_space<semaphore_mem>>) src(%dma_wait3A_171 : memref<256x128xf32, #tpu.memory_space<vmem>>) dst(%dma_wait3A_167 : memref<256x128xf32, #tpu.memory_space<hbm>>)
    %dma_start3A_172 = arith.constant 0 : i32
    %dma_start3A_173 = arith.constant 0 : i32
    %dma_start3A_174 = arith.constant 0 : i32
    %dma_start3A_175 = tpu.memref_slice %arg7[%dma_start3A_172, %dma_start3A_173, %dma_start3A_174] : memref<3x256x128xf32, #tpu.memory_space<vmem>> -> memref<1x128x128xf32, #tpu.memory_space<vmem>>
    %dma_start3A_176 = tpu.memref_squeeze %dma_start3A_175 : memref<1x128x128xf32, #tpu.memory_space<vmem>> -> memref<128x128xf32, #tpu.memory_space<vmem>>
    %dma_start3A_177 = arith.constant 768 : i32
    %dma_start3A_178 = tpu.memref_slice %arg6[%dma_start3A_177] : memref<25600xi32, #tpu.memory_space<vmem>> -> memref<128xi32, #tpu.memory_space<vmem>>
    %dma_start3A_179 = arith.constant 0 : i32
    %dma_start3A_180 = arith.constant 0 : i32
    %dma_start3A_181 = tpu.memref_slice %arg2[%dma_start3A_179, %dma_start3A_180] : memref<100000x128xf32, #tpu.memory_space<hbm>> -> memref<100000x128xf32, #tpu.memory_space<hbm>>
    tpu.enqueue_indirect_dma source(%dma_start3A_181 : memref<100000x128xf32, #tpu.memory_space<hbm>>) target(%dma_start3A_176 : memref<128x128xf32, #tpu.memory_space<vmem>>) offsets(%dma_start3A_178 : memref<128xi32, #tpu.memory_space<vmem>>) semaphore(%arg9 : memref<!tpu.dma_semaphore, #tpu.memory_space<semaphore_mem>>)
    %dma_start3A_182 = arith.constant 0 : i32
    %dma_start3A_183 = arith.constant 128 : i32
    %dma_start3A_184 = arith.constant 0 : i32
    %dma_start3A_185 = tpu.memref_slice %arg7[%dma_start3A_182, %dma_start3A_183, %dma_start3A_184] : memref<3x256x128xf32, #tpu.memory_space<vmem>> -> memref<1x128x128xf32, #tpu.memory_space<vmem>>
    %dma_start3A_186 = tpu.memref_squeeze %dma_start3A_185 : memref<1x128x128xf32, #tpu.memory_space<vmem>> -> memref<128x128xf32, #tpu.memory_space<vmem>>
    %dma_start3A_187 = arith.constant 896 : i32
    %dma_start3A_188 = tpu.memref_slice %arg6[%dma_start3A_187] : memref<25600xi32, #tpu.memory_space<vmem>> -> memref<128xi32, #tpu.memory_space<vmem>>
    %dma_start3A_189 = arith.constant 0 : i32
    %dma_start3A_190 = arith.constant 0 : i32
    %dma_start3A_191 = tpu.memref_slice %arg2[%dma_start3A_189, %dma_start3A_190] : memref<100000x128xf32, #tpu.memory_space<hbm>> -> memref<100000x128xf32, #tpu.memory_space<hbm>>
    tpu.enqueue_indirect_dma source(%dma_start3A_191 : memref<100000x128xf32, #tpu.memory_space<hbm>>) target(%dma_start3A_186 : memref<128x128xf32, #tpu.memory_space<vmem>>) offsets(%dma_start3A_188 : memref<128xi32, #tpu.memory_space<vmem>>) semaphore(%arg9 : memref<!tpu.dma_semaphore, #tpu.memory_space<semaphore_mem>>)
    %dma_wait3A_192 = arith.constant 2 : i32
    %dma_wait3A_193 = arith.constant 0 : i32
    %dma_wait3A_194 = arith.constant 0 : i32
    %dma_wait3A_195 = tpu.memref_slice %arg7[%dma_wait3A_192, %dma_wait3A_193, %dma_wait3A_194] : memref<3x256x128xf32, #tpu.memory_space<vmem>> -> memref<1x128x128xf32, #tpu.memory_space<vmem>>
    %dma_wait3A_196 = tpu.memref_squeeze %dma_wait3A_195 : memref<1x128x128xf32, #tpu.memory_space<vmem>> -> memref<128x128xf32, #tpu.memory_space<vmem>>
    %dma_wait3A_197 = arith.constant 512 : i32
    %dma_wait3A_198 = tpu.memref_slice %arg6[%dma_wait3A_197] : memref<25600xi32, #tpu.memory_space<vmem>> -> memref<128xi32, #tpu.memory_space<vmem>>
    %dma_wait3A_199 = arith.constant 0 : i32
    %dma_wait3A_200 = arith.constant 0 : i32
    %dma_wait3A_201 = tpu.memref_slice %arg2[%dma_wait3A_199, %dma_wait3A_200] : memref<100000x128xf32, #tpu.memory_space<hbm>> -> memref<100000x128xf32, #tpu.memory_space<hbm>>
    tpu.wait_indirect_dma semaphore(%arg9 : memref<!tpu.dma_semaphore, #tpu.memory_space<semaphore_mem>>) src(%dma_wait3A_201 : memref<100000x128xf32, #tpu.memory_space<hbm>>) dst(%dma_wait3A_196 : memref<128x128xf32, #tpu.memory_space<vmem>>)
    %dma_wait3A_202 = arith.constant 2 : i32
    %dma_wait3A_203 = arith.constant 128 : i32
    %dma_wait3A_204 = arith.constant 0 : i32
    %dma_wait3A_205 = tpu.memref_slice %arg7[%dma_wait3A_202, %dma_wait3A_203, %dma_wait3A_204] : memref<3x256x128xf32, #tpu.memory_space<vmem>> -> memref<1x128x128xf32, #tpu.memory_space<vmem>>
    %dma_wait3A_206 = tpu.memref_squeeze %dma_wait3A_205 : memref<1x128x128xf32, #tpu.memory_space<vmem>> -> memref<128x128xf32, #tpu.memory_space<vmem>>
    %dma_wait3A_207 = arith.constant 640 : i32
    %dma_wait3A_208 = tpu.memref_slice %arg6[%dma_wait3A_207] : memref<25600xi32, #tpu.memory_space<vmem>> -> memref<128xi32, #tpu.memory_space<vmem>>
    %dma_wait3A_209 = arith.constant 0 : i32
    %dma_wait3A_210 = arith.constant 0 : i32
    %dma_wait3A_211 = tpu.memref_slice %arg2[%dma_wait3A_209, %dma_wait3A_210] : memref<100000x128xf32, #tpu.memory_space<hbm>> -> memref<100000x128xf32, #tpu.memory_space<hbm>>
    tpu.wait_indirect_dma semaphore(%arg9 : memref<!tpu.dma_semaphore, #tpu.memory_space<semaphore_mem>>) src(%dma_wait3A_211 : memref<100000x128xf32, #tpu.memory_space<hbm>>) dst(%dma_wait3A_206 : memref<128x128xf32, #tpu.memory_space<vmem>>)
    %add3A_212 = arith.constant 512 : i32
    %add3A_213 = arith.addi %mul3A_2, %add3A_212 : i32
    %dma_start3A_214 = arith.constant 2 : i32
    %dma_start3A_215 = arith.constant 0 : i32
    %dma_start3A_216 = arith.constant 0 : i32
    %dma_start3A_217 = tpu.memref_slice %arg7[%dma_start3A_214, %dma_start3A_215, %dma_start3A_216] : memref<3x256x128xf32, #tpu.memory_space<vmem>> -> memref<1x256x128xf32, #tpu.memory_space<vmem>>
    %dma_start3A_218 = tpu.memref_squeeze %dma_start3A_217 : memref<1x256x128xf32, #tpu.memory_space<vmem>> -> memref<256x128xf32, #tpu.memory_space<vmem>>
    %dma_start3A_219 = arith.constant 0 : i32
    %dma_start3A_220 = tpu.memref_slice %arg4[%add3A_213, %dma_start3A_219] : memref<819200x128xf32, #tpu.memory_space<hbm>> -> memref<256x128xf32, #tpu.memory_space<hbm>>
    %dma_start3A_221 = arith.constant 0 : i32
    %dma_start3A_222 = tpu.memref_slice %arg4[%add3A_213, %dma_start3A_221] : memref<819200x128xf32, #tpu.memory_space<hbm>> -> memref<256x128xf32, #tpu.memory_space<hbm>>
    %dma_start3A_223 = arith.constant 0 : i32
    %dma_start3A_224 = arith.constant 0 : i32
    %dma_start3A_225 = tpu.memref_slice %arg7[%dma_start3A_214, %dma_start3A_223, %dma_start3A_224] : memref<3x256x128xf32, #tpu.memory_space<vmem>> -> memref<1x256x128xf32, #tpu.memory_space<vmem>>
    %dma_start3A_226 = tpu.memref_squeeze %dma_start3A_225 : memref<1x256x128xf32, #tpu.memory_space<vmem>> -> memref<256x128xf32, #tpu.memory_space<vmem>>
    tpu.enqueue_dma source(%dma_start3A_226 : memref<256x128xf32, #tpu.memory_space<vmem>>) target(%dma_start3A_222 : memref<256x128xf32, #tpu.memory_space<hbm>>) target_semaphore(%arg10 : memref<!tpu.dma_semaphore, #tpu.memory_space<semaphore_mem>>)
    %scan3A_227 = arith.constant 0 : i32
    %scan3A_228 = arith.constant 256 : i32
    %scan3A_229 = arith.addi %scan3A_227, %scan3A_228 : i32
    %scan3A_230 = arith.constant 1 : i32
    %scan3A_231:8 = scf.for %scan3A_565 = %scan3A_227 to %scan3A_229 step %scan3A_230 iter_args(%scan3A_566 = %scan3A_155#0, %scan3A_567 = %scan3A_155#1, %scan3A_568 = %scan3A_155#2, %scan3A_569 = %scan3A_155#3, %scan3A_570 = %scan3A_155#4, %scan3A_571 = %scan3A_155#5, %scan3A_572 = %scan3A_155#6, %scan3A_573 = %scan3A_155#7) -> (vector<16xf32>, vector<16xf32>, vector<16xf32>, vector<16xf32>, vector<16xf32>, vector<16xf32>, vector<16xf32>, vector<16xf32>)  : i32 {
      %get3A = arith.constant 2 : i32
      %get3A_574 = arith.index_cast %get3A : i32 to index
      %get3A_575 = arith.index_cast %scan3A_565 : i32 to index
      %get3A_576 = arith.constant 0 : index
      %get3A_577 = tpu.vector_load %arg7[%get3A_574, %get3A_575, %get3A_576] {strides = array<i32>} : memref<3x256x128xf32, #tpu.memory_space<vmem>>, vector<1x1x16xf32>,
      %get3A_578 = vector.shape_cast %get3A_577 : vector<1x1x16xf32> to vector<16xf32>
      %add3A_579 = arith.addf %scan3A_566, %get3A_578 : vector<16xf32>
      %get3A_580 = arith.constant 2 : i32
      %get3A_581 = arith.index_cast %get3A_580 : i32 to index
      %get3A_582 = arith.index_cast %scan3A_565 : i32 to index
      %get3A_583 = arith.constant 16 : index
      %get3A_584 = tpu.vector_load %arg7[%get3A_581, %get3A_582, %get3A_583] {strides = array<i32>} : memref<3x256x128xf32, #tpu.memory_space<vmem>>, vector<1x1x16xf32>,
      %get3A_585 = vector.shape_cast %get3A_584 : vector<1x1x16xf32> to vector<16xf32>
      %add3A_586 = arith.addf %scan3A_567, %get3A_585 : vector<16xf32>
      %get3A_587 = arith.constant 2 : i32
      %get3A_588 = arith.index_cast %get3A_587 : i32 to index
      %get3A_589 = arith.index_cast %scan3A_565 : i32 to index
      %get3A_590 = arith.constant 32 : index
      %get3A_591 = tpu.vector_load %arg7[%get3A_588, %get3A_589, %get3A_590] {strides = array<i32>} : memref<3x256x128xf32, #tpu.memory_space<vmem>>, vector<1x1x16xf32>,
      %get3A_592 = vector.shape_cast %get3A_591 : vector<1x1x16xf32> to vector<16xf32>
      %add3A_593 = arith.addf %scan3A_568, %get3A_592 : vector<16xf32>
      %get3A_594 = arith.constant 2 : i32
      %get3A_595 = arith.index_cast %get3A_594 : i32 to index
      %get3A_596 = arith.index_cast %scan3A_565 : i32 to index
      %get3A_597 = arith.constant 48 : index
      %get3A_598 = tpu.vector_load %arg7[%get3A_595, %get3A_596, %get3A_597] {strides = array<i32>} : memref<3x256x128xf32, #tpu.memory_space<vmem>>, vector<1x1x16xf32>,
      %get3A_599 = vector.shape_cast %get3A_598 : vector<1x1x16xf32> to vector<16xf32>
      %add3A_600 = arith.addf %scan3A_569, %get3A_599 : vector<16xf32>
      %get3A_601 = arith.constant 2 : i32
      %get3A_602 = arith.index_cast %get3A_601 : i32 to index
      %get3A_603 = arith.index_cast %scan3A_565 : i32 to index
      %get3A_604 = arith.constant 64 : index
      %get3A_605 = tpu.vector_load %arg7[%get3A_602, %get3A_603, %get3A_604] {strides = array<i32>} : memref<3x256x128xf32, #tpu.memory_space<vmem>>, vector<1x1x16xf32>,
      %get3A_606 = vector.shape_cast %get3A_605 : vector<1x1x16xf32> to vector<16xf32>
      %add3A_607 = arith.addf %scan3A_570, %get3A_606 : vector<16xf32>
      %get3A_608 = arith.constant 2 : i32
      %get3A_609 = arith.index_cast %get3A_608 : i32 to index
      %get3A_610 = arith.index_cast %scan3A_565 : i32 to index
      %get3A_611 = arith.constant 80 : index
      %get3A_612 = tpu.vector_load %arg7[%get3A_609, %get3A_610, %get3A_611] {strides = array<i32>} : memref<3x256x128xf32, #tpu.memory_space<vmem>>, vector<1x1x16xf32>,
      %get3A_613 = vector.shape_cast %get3A_612 : vector<1x1x16xf32> to vector<16xf32>
      %add3A_614 = arith.addf %scan3A_571, %get3A_613 : vector<16xf32>
      %get3A_615 = arith.constant 2 : i32
      %get3A_616 = arith.index_cast %get3A_615 : i32 to index
      %get3A_617 = arith.index_cast %scan3A_565 : i32 to index
      %get3A_618 = arith.constant 96 : index
      %get3A_619 = tpu.vector_load %arg7[%get3A_616, %get3A_617, %get3A_618] {strides = array<i32>} : memref<3x256x128xf32, #tpu.memory_space<vmem>>, vector<1x1x16xf32>,
      %get3A_620 = vector.shape_cast %get3A_619 : vector<1x1x16xf32> to vector<16xf32>
      %add3A_621 = arith.addf %scan3A_572, %get3A_620 : vector<16xf32>
      %get3A_622 = arith.constant 2 : i32
      %get3A_623 = arith.index_cast %get3A_622 : i32 to index
      %get3A_624 = arith.index_cast %scan3A_565 : i32 to index
      %get3A_625 = arith.constant 112 : index
      %get3A_626 = tpu.vector_load %arg7[%get3A_623, %get3A_624, %get3A_625] {strides = array<i32>} : memref<3x256x128xf32, #tpu.memory_space<vmem>>, vector<1x1x16xf32>,
      %get3A_627 = vector.shape_cast %get3A_626 : vector<1x1x16xf32> to vector<16xf32>
      %add3A_628 = arith.addf %scan3A_573, %get3A_627 : vector<16xf32>
      scf.yield %add3A_579, %add3A_586, %add3A_593, %add3A_600, %add3A_607, %add3A_614, %add3A_621, %add3A_628 : vector<16xf32>, vector<16xf32>, vector<16xf32>, vector<16xf32>, vector<16xf32>, vector<16xf32>, vector<16xf32>, vector<16xf32>
    }
    %scan3A_232 = arith.constant 256 : i32
    %add3A_233 = arith.constant 256 : i32
    %add3A_234 = arith.addi %mul3A_2, %add3A_233 : i32
    %dma_wait3A_235 = arith.constant 1 : i32
    %dma_wait3A_236 = arith.constant 0 : i32
    %dma_wait3A_237 = arith.constant 0 : i32
    %dma_wait3A_238 = tpu.memref_slice %arg7[%dma_wait3A_235, %dma_wait3A_236, %dma_wait3A_237] : memref<3x256x128xf32, #tpu.memory_space<vmem>> -> memref<1x256x128xf32, #tpu.memory_space<vmem>>
    %dma_wait3A_239 = tpu.memref_squeeze %dma_wait3A_238 : memref<1x256x128xf32, #tpu.memory_space<vmem>> -> memref<256x128xf32, #tpu.memory_space<vmem>>
    %dma_wait3A_240 = arith.constant 0 : i32
    %dma_wait3A_241 = tpu.memref_slice %arg4[%add3A_234, %dma_wait3A_240] : memref<819200x128xf32, #tpu.memory_space<hbm>> -> memref<256x128xf32, #tpu.memory_space<hbm>>
    %dma_wait3A_242 = arith.constant 0 : i32
    %dma_wait3A_243 = tpu.memref_slice %arg4[%add3A_234, %dma_wait3A_242] : memref<819200x128xf32, #tpu.memory_space<hbm>> -> memref<256x128xf32, #tpu.memory_space<hbm>>
    %dma_wait3A_244 = arith.constant 0 : i32
    %dma_wait3A_245 = arith.constant 0 : i32
    %dma_wait3A_246 = tpu.memref_slice %arg7[%dma_wait3A_235, %dma_wait3A_244, %dma_wait3A_245] : memref<3x256x128xf32, #tpu.memory_space<vmem>> -> memref<1x256x128xf32, #tpu.memory_space<vmem>>
    %dma_wait3A_247 = tpu.memref_squeeze %dma_wait3A_246 : memref<1x256x128xf32, #tpu.memory_space<vmem>> -> memref<256x128xf32, #tpu.memory_space<vmem>>
    tpu.wait_dma2 semaphore(%arg10 : memref<!tpu.dma_semaphore, #tpu.memory_space<semaphore_mem>>) src(%dma_wait3A_247 : memref<256x128xf32, #tpu.memory_space<vmem>>) dst(%dma_wait3A_243 : memref<256x128xf32, #tpu.memory_space<hbm>>)
    %dma_start3A_248 = arith.constant 1 : i32
    %dma_start3A_249 = arith.constant 0 : i32
    %dma_start3A_250 = arith.constant 0 : i32
    %dma_start3A_251 = tpu.memref_slice %arg7[%dma_start3A_248, %dma_start3A_249, %dma_start3A_250] : memref<3x256x128xf32, #tpu.memory_space<vmem>> -> memref<1x128x128xf32, #tpu.memory_space<vmem>>
    %dma_start3A_252 = tpu.memref_squeeze %dma_start3A_251 : memref<1x128x128xf32, #tpu.memory_space<vmem>> -> memref<128x128xf32, #tpu.memory_space<vmem>>
    %dma_start3A_253 = arith.constant 1024 : i32
    %dma_start3A_254 = tpu.memref_slice %arg6[%dma_start3A_253] : memref<25600xi32, #tpu.memory_space<vmem>> -> memref<128xi32, #tpu.memory_space<vmem>>
    %dma_start3A_255 = arith.constant 0 : i32
    %dma_start3A_256 = arith.constant 0 : i32
    %dma_start3A_257 = tpu.memref_slice %arg2[%dma_start3A_255, %dma_start3A_256] : memref<100000x128xf32, #tpu.memory_space<hbm>> -> memref<100000x128xf32, #tpu.memory_space<hbm>>
    tpu.enqueue_indirect_dma source(%dma_start3A_257 : memref<100000x128xf32, #tpu.memory_space<hbm>>) target(%dma_start3A_252 : memref<128x128xf32, #tpu.memory_space<vmem>>) offsets(%dma_start3A_254 : memref<128xi32, #tpu.memory_space<vmem>>) semaphore(%arg9 : memref<!tpu.dma_semaphore, #tpu.memory_space<semaphore_mem>>)
    %dma_start3A_258 = arith.constant 1 : i32
    %dma_start3A_259 = arith.constant 128 : i32
    %dma_start3A_260 = arith.constant 0 : i32
    %dma_start3A_261 = tpu.memref_slice %arg7[%dma_start3A_258, %dma_start3A_259, %dma_start3A_260] : memref<3x256x128xf32, #tpu.memory_space<vmem>> -> memref<1x128x128xf32, #tpu.memory_space<vmem>>
    %dma_start3A_262 = tpu.memref_squeeze %dma_start3A_261 : memref<1x128x128xf32, #tpu.memory_space<vmem>> -> memref<128x128xf32, #tpu.memory_space<vmem>>
    %dma_start3A_263 = arith.constant 1152 : i32
    %dma_start3A_264 = tpu.memref_slice %arg6[%dma_start3A_263] : memref<25600xi32, #tpu.memory_space<vmem>> -> memref<128xi32, #tpu.memory_space<vmem>>
    %dma_start3A_265 = arith.constant 0 : i32
    %dma_start3A_266 = arith.constant 0 : i32
    %dma_start3A_267 = tpu.memref_slice %arg2[%dma_start3A_265, %dma_start3A_266] : memref<100000x128xf32, #tpu.memory_space<hbm>> -> memref<100000x128xf32, #tpu.memory_space<hbm>>
    tpu.enqueue_indirect_dma source(%dma_start3A_267 : memref<100000x128xf32, #tpu.memory_space<hbm>>) target(%dma_start3A_262 : memref<128x128xf32, #tpu.memory_space<vmem>>) offsets(%dma_start3A_264 : memref<128xi32, #tpu.memory_space<vmem>>) semaphore(%arg9 : memref<!tpu.dma_semaphore, #tpu.memory_space<semaphore_mem>>)
    %scan3A_268 = arith.constant 1 : i32
    %scan3A_269 = arith.constant 31 : i32
    %scan3A_270 = arith.addi %scan3A_268, %scan3A_269 : i32
    %scan3A_271 = arith.constant 1 : i32
    %scan3A_272:8 = scf.for %scan3A_565 = %scan3A_268 to %scan3A_270 step %scan3A_271 iter_args(%scan3A_566 = %scan3A_231#0, %scan3A_567 = %scan3A_231#1, %scan3A_568 = %scan3A_231#2, %scan3A_569 = %scan3A_231#3, %scan3A_570 = %scan3A_231#4, %scan3A_571 = %scan3A_231#5, %scan3A_572 = %scan3A_231#6, %scan3A_573 = %scan3A_231#7) -> (vector<16xf32>, vector<16xf32>, vector<16xf32>, vector<16xf32>, vector<16xf32>, vector<16xf32>, vector<16xf32>, vector<16xf32>)  : i32 {
      %mul3A_574 = arith.constant 3 : i32
      %mul3A_575 = arith.muli %scan3A_565, %mul3A_574 : i32
      %add3A_576 = arith.constant 0 : i32
      %add3A_577 = arith.addi %mul3A_575, %add3A_576 : i32
      %mul3A_578 = arith.constant 256 : i32
      %mul3A_579 = arith.muli %add3A_577, %mul3A_578 : i32
      %add3A_580 = arith.constant 0 : i32
      %add3A_581 = arith.addi %mul3A_579, %add3A_580 : i32
      %dma_wait3A_582 = arith.constant 0 : i32
      %dma_wait3A_583 = arith.constant 0 : i32
      %dma_wait3A_584 = arith.constant 0 : i32
      %dma_wait3A_585 = tpu.memref_slice %arg7[%dma_wait3A_582, %dma_wait3A_583, %dma_wait3A_584] : memref<3x256x128xf32, #tpu.memory_space<vmem>> -> memref<1x128x128xf32, #tpu.memory_space<vmem>>
      %dma_wait3A_586 = tpu.memref_squeeze %dma_wait3A_585 : memref<1x128x128xf32, #tpu.memory_space<vmem>> -> memref<128x128xf32, #tpu.memory_space<vmem>>
      %dma_wait3A_587 = tpu.memref_slice %arg6[%add3A_581] : memref<25600xi32, #tpu.memory_space<vmem>> -> memref<128xi32, #tpu.memory_space<vmem>>
      %dma_wait3A_588 = arith.constant 0 : i32
      %dma_wait3A_589 = arith.constant 0 : i32
      %dma_wait3A_590 = tpu.memref_slice %arg2[%dma_wait3A_588, %dma_wait3A_589] : memref<100000x128xf32, #tpu.memory_space<hbm>> -> memref<100000x128xf32, #tpu.memory_space<hbm>>
      tpu.wait_indirect_dma semaphore(%arg9 : memref<!tpu.dma_semaphore, #tpu.memory_space<semaphore_mem>>) src(%dma_wait3A_590 : memref<100000x128xf32, #tpu.memory_space<hbm>>) dst(%dma_wait3A_586 : memref<128x128xf32, #tpu.memory_space<vmem>>)
      %mul3A_591 = arith.constant 256 : i32
      %mul3A_592 = arith.muli %add3A_577, %mul3A_591 : i32
      %add3A_593 = arith.constant 128 : i32
      %add3A_594 = arith.addi %mul3A_592, %add3A_593 : i32
      %dma_wait3A_595 = arith.constant 0 : i32
      %dma_wait3A_596 = arith.constant 128 : i32
      %dma_wait3A_597 = arith.constant 0 : i32
      %dma_wait3A_598 = tpu.memref_slice %arg7[%dma_wait3A_595, %dma_wait3A_596, %dma_wait3A_597] : memref<3x256x128xf32, #tpu.memory_space<vmem>> -> memref<1x128x128xf32, #tpu.memory_space<vmem>>
      %dma_wait3A_599 = tpu.memref_squeeze %dma_wait3A_598 : memref<1x128x128xf32, #tpu.memory_space<vmem>> -> memref<128x128xf32, #tpu.memory_space<vmem>>
      %dma_wait3A_600 = tpu.memref_slice %arg6[%add3A_594] : memref<25600xi32, #tpu.memory_space<vmem>> -> memref<128xi32, #tpu.memory_space<vmem>>
      %dma_wait3A_601 = arith.constant 0 : i32
      %dma_wait3A_602 = arith.constant 0 : i32
      %dma_wait3A_603 = tpu.memref_slice %arg2[%dma_wait3A_601, %dma_wait3A_602] : memref<100000x128xf32, #tpu.memory_space<hbm>> -> memref<100000x128xf32, #tpu.memory_space<hbm>>
      tpu.wait_indirect_dma semaphore(%arg9 : memref<!tpu.dma_semaphore, #tpu.memory_space<semaphore_mem>>) src(%dma_wait3A_603 : memref<100000x128xf32, #tpu.memory_space<hbm>>) dst(%dma_wait3A_599 : memref<128x128xf32, #tpu.memory_space<vmem>>)
      %mul3A_604 = arith.constant 256 : i32
      %mul3A_605 = arith.muli %add3A_577, %mul3A_604 : i32
      %add3A_606 = arith.addi %mul3A_2, %mul3A_605 : i32
      %dma_start3A_607 = arith.constant 0 : i32
      %dma_start3A_608 = arith.constant 0 : i32
      %dma_start3A_609 = arith.constant 0 : i32
      %dma_start3A_610 = tpu.memref_slice %arg7[%dma_start3A_607, %dma_start3A_608, %dma_start3A_609] : memref<3x256x128xf32, #tpu.memory_space<vmem>> -> memref<1x256x128xf32, #tpu.memory_space<vmem>>
      %dma_start3A_611 = tpu.memref_squeeze %dma_start3A_610 : memref<1x256x128xf32, #tpu.memory_space<vmem>> -> memref<256x128xf32, #tpu.memory_space<vmem>>
      %dma_start3A_612 = arith.constant 0 : i32
      %dma_start3A_613 = tpu.memref_slice %arg4[%add3A_606, %dma_start3A_612] : memref<819200x128xf32, #tpu.memory_space<hbm>> -> memref<256x128xf32, #tpu.memory_space<hbm>>
      %dma_start3A_614 = arith.constant 0 : i32
      %dma_start3A_615 = tpu.memref_slice %arg4[%add3A_606, %dma_start3A_614] : memref<819200x128xf32, #tpu.memory_space<hbm>> -> memref<256x128xf32, #tpu.memory_space<hbm>>
      %dma_start3A_616 = arith.constant 0 : i32
      %dma_start3A_617 = arith.constant 0 : i32
      %dma_start3A_618 = tpu.memref_slice %arg7[%dma_start3A_607, %dma_start3A_616, %dma_start3A_617] : memref<3x256x128xf32, #tpu.memory_space<vmem>> -> memref<1x256x128xf32, #tpu.memory_space<vmem>>
      %dma_start3A_619 = tpu.memref_squeeze %dma_start3A_618 : memref<1x256x128xf32, #tpu.memory_space<vmem>> -> memref<256x128xf32, #tpu.memory_space<vmem>>
      tpu.enqueue_dma source(%dma_start3A_619 : memref<256x128xf32, #tpu.memory_space<vmem>>) target(%dma_start3A_615 : memref<256x128xf32, #tpu.memory_space<hbm>>) target_semaphore(%arg10 : memref<!tpu.dma_semaphore, #tpu.memory_space<semaphore_mem>>)
      %scan3A_620 = arith.constant 0 : i32
      %scan3A_621 = arith.constant 256 : i32
      %scan3A_622 = arith.addi %scan3A_620, %scan3A_621 : i32
      %scan3A_623 = arith.constant 1 : i32
      %scan3A_624:8 = scf.for %scan3A_863 = %scan3A_620 to %scan3A_622 step %scan3A_623 iter_args(%scan3A_864 = %scan3A_566, %scan3A_865 = %scan3A_567, %scan3A_866 = %scan3A_568, %scan3A_867 = %scan3A_569, %scan3A_868 = %scan3A_570, %scan3A_869 = %scan3A_571, %scan3A_870 = %scan3A_572, %scan3A_871 = %scan3A_573) -> (vector<16xf32>, vector<16xf32>, vector<16xf32>, vector<16xf32>, vector<16xf32>, vector<16xf32>, vector<16xf32>, vector<16xf32>)  : i32 {
        %get3A = arith.constant 0 : i32
        %get3A_872 = arith.index_cast %get3A : i32 to index
        %get3A_873 = arith.index_cast %scan3A_863 : i32 to index
        %get3A_874 = arith.constant 0 : index
        %get3A_875 = tpu.vector_load %arg7[%get3A_872, %get3A_873, %get3A_874] {strides = array<i32>} : memref<3x256x128xf32, #tpu.memory_space<vmem>>, vector<1x1x16xf32>,
        %get3A_876 = vector.shape_cast %get3A_875 : vector<1x1x16xf32> to vector<16xf32>
        %add3A_877 = arith.addf %scan3A_864, %get3A_876 : vector<16xf32>
        %get3A_878 = arith.constant 0 : i32
        %get3A_879 = arith.index_cast %get3A_878 : i32 to index
        %get3A_880 = arith.index_cast %scan3A_863 : i32 to index
        %get3A_881 = arith.constant 16 : index
        %get3A_882 = tpu.vector_load %arg7[%get3A_879, %get3A_880, %get3A_881] {strides = array<i32>} : memref<3x256x128xf32, #tpu.memory_space<vmem>>, vector<1x1x16xf32>,
        %get3A_883 = vector.shape_cast %get3A_882 : vector<1x1x16xf32> to vector<16xf32>
        %add3A_884 = arith.addf %scan3A_865, %get3A_883 : vector<16xf32>
        %get3A_885 = arith.constant 0 : i32
        %get3A_886 = arith.index_cast %get3A_885 : i32 to index
        %get3A_887 = arith.index_cast %scan3A_863 : i32 to index
        %get3A_888 = arith.constant 32 : index
        %get3A_889 = tpu.vector_load %arg7[%get3A_886, %get3A_887, %get3A_888] {strides = array<i32>} : memref<3x256x128xf32, #tpu.memory_space<vmem>>, vector<1x1x16xf32>,
        %get3A_890 = vector.shape_cast %get3A_889 : vector<1x1x16xf32> to vector<16xf32>
        %add3A_891 = arith.addf %scan3A_866, %get3A_890 : vector<16xf32>
        %get3A_892 = arith.constant 0 : i32
        %get3A_893 = arith.index_cast %get3A_892 : i32 to index
        %get3A_894 = arith.index_cast %scan3A_863 : i32 to index
        %get3A_895 = arith.constant 48 : index
        %get3A_896 = tpu.vector_load %arg7[%get3A_893, %get3A_894, %get3A_895] {strides = array<i32>} : memref<3x256x128xf32, #tpu.memory_space<vmem>>, vector<1x1x16xf32>,
        %get3A_897 = vector.shape_cast %get3A_896 : vector<1x1x16xf32> to vector<16xf32>
        %add3A_898 = arith.addf %scan3A_867, %get3A_897 : vector<16xf32>
        %get3A_899 = arith.constant 0 : i32
        %get3A_900 = arith.index_cast %get3A_899 : i32 to index
        %get3A_901 = arith.index_cast %scan3A_863 : i32 to index
        %get3A_902 = arith.constant 64 : index
        %get3A_903 = tpu.vector_load %arg7[%get3A_900, %get3A_901, %get3A_902] {strides = array<i32>} : memref<3x256x128xf32, #tpu.memory_space<vmem>>, vector<1x1x16xf32>,
        %get3A_904 = vector.shape_cast %get3A_903 : vector<1x1x16xf32> to vector<16xf32>
        %add3A_905 = arith.addf %scan3A_868, %get3A_904 : vector<16xf32>
        %get3A_906 = arith.constant 0 : i32
        %get3A_907 = arith.index_cast %get3A_906 : i32 to index
        %get3A_908 = arith.index_cast %scan3A_863 : i32 to index
        %get3A_909 = arith.constant 80 : index
        %get3A_910 = tpu.vector_load %arg7[%get3A_907, %get3A_908, %get3A_909] {strides = array<i32>} : memref<3x256x128xf32, #tpu.memory_space<vmem>>, vector<1x1x16xf32>,
        %get3A_911 = vector.shape_cast %get3A_910 : vector<1x1x16xf32> to vector<16xf32>
        %add3A_912 = arith.addf %scan3A_869, %get3A_911 : vector<16xf32>
        %get3A_913 = arith.constant 0 : i32
        %get3A_914 = arith.index_cast %get3A_913 : i32 to index
        %get3A_915 = arith.index_cast %scan3A_863 : i32 to index
        %get3A_916 = arith.constant 96 : index
        %get3A_917 = tpu.vector_load %arg7[%get3A_914, %get3A_915, %get3A_916] {strides = array<i32>} : memref<3x256x128xf32, #tpu.memory_space<vmem>>, vector<1x1x16xf32>,
        %get3A_918 = vector.shape_cast %get3A_917 : vector<1x1x16xf32> to vector<16xf32>
        %add3A_919 = arith.addf %scan3A_870, %get3A_918 : vector<16xf32>
        %get3A_920 = arith.constant 0 : i32
        %get3A_921 = arith.index_cast %get3A_920 : i32 to index
        %get3A_922 = arith.index_cast %scan3A_863 : i32 to index
        %get3A_923 = arith.constant 112 : index
        %get3A_924 = tpu.vector_load %arg7[%get3A_921, %get3A_922, %get3A_923] {strides = array<i32>} : memref<3x256x128xf32, #tpu.memory_space<vmem>>, vector<1x1x16xf32>,
        %get3A_925 = vector.shape_cast %get3A_924 : vector<1x1x16xf32> to vector<16xf32>
        %add3A_926 = arith.addf %scan3A_871, %get3A_925 : vector<16xf32>
        scf.yield %add3A_877, %add3A_884, %add3A_891, %add3A_898, %add3A_905, %add3A_912, %add3A_919, %add3A_926 : vector<16xf32>, vector<16xf32>, vector<16xf32>, vector<16xf32>, vector<16xf32>, vector<16xf32>, vector<16xf32>, vector<16xf32>
      }
      %scan3A_625 = arith.constant 256 : i32
      %sub3A = arith.constant 1 : i32
      %sub3A_626 = arith.subi %add3A_577, %sub3A : i32
      %mul3A_627 = arith.constant 256 : i32
      %mul3A_628 = arith.muli %sub3A_626, %mul3A_627 : i32
      %add3A_629 = arith.addi %mul3A_2, %mul3A_628 : i32
      %dma_wait3A_630 = arith.constant 2 : i32
      %dma_wait3A_631 = arith.constant 0 : i32
      %dma_wait3A_632 = arith.constant 0 : i32
      %dma_wait3A_633 = tpu.memref_slice %arg7[%dma_wait3A_630, %dma_wait3A_631, %dma_wait3A_632] : memref<3x256x128xf32, #tpu.memory_space<vmem>> -> memref<1x256x128xf32, #tpu.memory_space<vmem>>
      %dma_wait3A_634 = tpu.memref_squeeze %dma_wait3A_633 : memref<1x256x128xf32, #tpu.memory_space<vmem>> -> memref<256x128xf32, #tpu.memory_space<vmem>>
      %dma_wait3A_635 = arith.constant 0 : i32
      %dma_wait3A_636 = tpu.memref_slice %arg4[%add3A_629, %dma_wait3A_635] : memref<819200x128xf32, #tpu.memory_space<hbm>> -> memref<256x128xf32, #tpu.memory_space<hbm>>
      %dma_wait3A_637 = arith.constant 0 : i32
      %dma_wait3A_638 = tpu.memref_slice %arg4[%add3A_629, %dma_wait3A_637] : memref<819200x128xf32, #tpu.memory_space<hbm>> -> memref<256x128xf32, #tpu.memory_space<hbm>>
      %dma_wait3A_639 = arith.constant 0 : i32
      %dma_wait3A_640 = arith.constant 0 : i32
      %dma_wait3A_641 = tpu.memref_slice %arg7[%dma_wait3A_630, %dma_wait3A_639, %dma_wait3A_640] : memref<3x256x128xf32, #tpu.memory_space<vmem>> -> memref<1x256x128xf32, #tpu.memory_space<vmem>>
      %dma_wait3A_642 = tpu.memref_squeeze %dma_wait3A_641 : memref<1x256x128xf32, #tpu.memory_space<vmem>> -> memref<256x128xf32, #tpu.memory_space<vmem>>
      tpu.wait_dma2 semaphore(%arg10 : memref<!tpu.dma_semaphore, #tpu.memory_space<semaphore_mem>>) src(%dma_wait3A_642 : memref<256x128xf32, #tpu.memory_space<vmem>>) dst(%dma_wait3A_638 : memref<256x128xf32, #tpu.memory_space<hbm>>)
      %add3A_643 = arith.constant 2 : i32
      %add3A_644 = arith.addi %add3A_577, %add3A_643 : i32
      %mul3A_645 = arith.constant 256 : i32
      %mul3A_646 = arith.muli %add3A_644, %mul3A_645 : i32
      %add3A_647 = arith.constant 0 : i32
      %add3A_648 = arith.addi %mul3A_646, %add3A_647 : i32
      %dma_start3A_649 = arith.constant 2 : i32
      %dma_start3A_650 = arith.constant 0 : i32
      %dma_start3A_651 = arith.constant 0 : i32
      %dma_start3A_652 = tpu.memref_slice %arg7[%dma_start3A_649, %dma_start3A_650, %dma_start3A_651] : memref<3x256x128xf32, #tpu.memory_space<vmem>> -> memref<1x128x128xf32, #tpu.memory_space<vmem>>
      %dma_start3A_653 = tpu.memref_squeeze %dma_start3A_652 : memref<1x128x128xf32, #tpu.memory_space<vmem>> -> memref<128x128xf32, #tpu.memory_space<vmem>>
      %dma_start3A_654 = tpu.memref_slice %arg6[%add3A_648] : memref<25600xi32, #tpu.memory_space<vmem>> -> memref<128xi32, #tpu.memory_space<vmem>>
      %dma_start3A_655 = arith.constant 0 : i32
      %dma_start3A_656 = arith.constant 0 : i32
      %dma_start3A_657 = tpu.memref_slice %arg2[%dma_start3A_655, %dma_start3A_656] : memref<100000x128xf32, #tpu.memory_space<hbm>> -> memref<100000x128xf32, #tpu.memory_space<hbm>>
      tpu.enqueue_indirect_dma source(%dma_start3A_657 : memref<100000x128xf32, #tpu.memory_space<hbm>>) target(%dma_start3A_653 : memref<128x128xf32, #tpu.memory_space<vmem>>) offsets(%dma_start3A_654 : memref<128xi32, #tpu.memory_space<vmem>>) semaphore(%arg9 : memref<!tpu.dma_semaphore, #tpu.memory_space<semaphore_mem>>)
      %mul3A_658 = arith.constant 256 : i32
      %mul3A_659 = arith.muli %add3A_644, %mul3A_658 : i32
      %add3A_660 = arith.constant 128 : i32
      %add3A_661 = arith.addi %mul3A_659, %add3A_660 : i32
      %dma_start3A_662 = arith.constant 2 : i32
      %dma_start3A_663 = arith.constant 128 : i32
      %dma_start3A_664 = arith.constant 0 : i32
      %dma_start3A_665 = tpu.memref_slice %arg7[%dma_start3A_662, %dma_start3A_663, %dma_start3A_664] : memref<3x256x128xf32, #tpu.memory_space<vmem>> -> memref<1x128x128xf32, #tpu.memory_space<vmem>>
      %dma_start3A_666 = tpu.memref_squeeze %dma_start3A_665 : memref<1x128x128xf32, #tpu.memory_space<vmem>> -> memref<128x128xf32, #tpu.memory_space<vmem>>
      %dma_start3A_667 = tpu.memref_slice %arg6[%add3A_661] : memref<25600xi32, #tpu.memory_space<vmem>> -> memref<128xi32, #tpu.memory_space<vmem>>
      %dma_start3A_668 = arith.constant 0 : i32
      %dma_start3A_669 = arith.constant 0 : i32
      %dma_start3A_670 = tpu.memref_slice %arg2[%dma_start3A_668, %dma_start3A_669] : memref<100000x128xf32, #tpu.memory_space<hbm>> -> memref<100000x128xf32, #tpu.memory_space<hbm>>
      tpu.enqueue_indirect_dma source(%dma_start3A_670 : memref<100000x128xf32, #tpu.memory_space<hbm>>) target(%dma_start3A_666 : memref<128x128xf32, #tpu.memory_space<vmem>>) offsets(%dma_start3A_667 : memref<128xi32, #tpu.memory_space<vmem>>) semaphore(%arg9 : memref<!tpu.dma_semaphore, #tpu.memory_space<semaphore_mem>>)
      %add3A_671 = arith.constant 1 : i32
      %add3A_672 = arith.addi %mul3A_575, %add3A_671 : i32
      %mul3A_673 = arith.constant 256 : i32
      %mul3A_674 = arith.muli %add3A_672, %mul3A_673 : i32
      %add3A_675 = arith.constant 0 : i32
      %add3A_676 = arith.addi %mul3A_674, %add3A_675 : i32
      %dma_wait3A_677 = arith.constant 1 : i32
      %dma_wait3A_678 = arith.constant 0 : i32
      %dma_wait3A_679 = arith.constant 0 : i32
      %dma_wait3A_680 = tpu.memref_slice %arg7[%dma_wait3A_677, %dma_wait3A_678, %dma_wait3A_679] : memref<3x256x128xf32, #tpu.memory_space<vmem>> -> memref<1x128x128xf32, #tpu.memory_space<vmem>>
      %dma_wait3A_681 = tpu.memref_squeeze %dma_wait3A_680 : memref<1x128x128xf32, #tpu.memory_space<vmem>> -> memref<128x128xf32, #tpu.memory_space<vmem>>
      %dma_wait3A_682 = tpu.memref_slice %arg6[%add3A_676] : memref<25600xi32, #tpu.memory_space<vmem>> -> memref<128xi32, #tpu.memory_space<vmem>>
      %dma_wait3A_683 = arith.constant 0 : i32
      %dma_wait3A_684 = arith.constant 0 : i32
      %dma_wait3A_685 = tpu.memref_slice %arg2[%dma_wait3A_683, %dma_wait3A_684] : memref<100000x128xf32, #tpu.memory_space<hbm>> -> memref<100000x128xf32, #tpu.memory_space<hbm>>
      tpu.wait_indirect_dma semaphore(%arg9 : memref<!tpu.dma_semaphore, #tpu.memory_space<semaphore_mem>>) src(%dma_wait3A_685 : memref<100000x128xf32, #tpu.memory_space<hbm>>) dst(%dma_wait3A_681 : memref<128x128xf32, #tpu.memory_space<vmem>>)
      %mul3A_686 = arith.constant 256 : i32
      %mul3A_687 = arith.muli %add3A_672, %mul3A_686 : i32
      %add3A_688 = arith.constant 128 : i32
      %add3A_689 = arith.addi %mul3A_687, %add3A_688 : i32
      %dma_wait3A_690 = arith.constant 1 : i32
      %dma_wait3A_691 = arith.constant 128 : i32
      %dma_wait3A_692 = arith.constant 0 : i32
      %dma_wait3A_693 = tpu.memref_slice %arg7[%dma_wait3A_690, %dma_wait3A_691, %dma_wait3A_692] : memref<3x256x128xf32, #tpu.memory_space<vmem>> -> memref<1x128x128xf32, #tpu.memory_space<vmem>>
      %dma_wait3A_694 = tpu.memref_squeeze %dma_wait3A_693 : memref<1x128x128xf32, #tpu.memory_space<vmem>> -> memref<128x128xf32, #tpu.memory_space<vmem>>
      %dma_wait3A_695 = tpu.memref_slice %arg6[%add3A_689] : memref<25600xi32, #tpu.memory_space<vmem>> -> memref<128xi32, #tpu.memory_space<vmem>>
      %dma_wait3A_696 = arith.constant 0 : i32
      %dma_wait3A_697 = arith.constant 0 : i32
      %dma_wait3A_698 = tpu.memref_slice %arg2[%dma_wait3A_696, %dma_wait3A_697] : memref<100000x128xf32, #tpu.memory_space<hbm>> -> memref<100000x128xf32, #tpu.memory_space<hbm>>
      tpu.wait_indirect_dma semaphore(%arg9 : memref<!tpu.dma_semaphore, #tpu.memory_space<semaphore_mem>>) src(%dma_wait3A_698 : memref<100000x128xf32, #tpu.memory_space<hbm>>) dst(%dma_wait3A_694 : memref<128x128xf32, #tpu.memory_space<vmem>>)
      %mul3A_699 = arith.constant 256 : i32
      %mul3A_700 = arith.muli %add3A_672, %mul3A_699 : i32
      %add3A_701 = arith.addi %mul3A_2, %mul3A_700 : i32
      %dma_start3A_702 = arith.constant 1 : i32
      %dma_start3A_703 = arith.constant 0 : i32
      %dma_start3A_704 = arith.constant 0 : i32
      %dma_start3A_705 = tpu.memref_slice %arg7[%dma_start3A_702, %dma_start3A_703, %dma_start3A_704] : memref<3x256x128xf32, #tpu.memory_space<vmem>> -> memref<1x256x128xf32, #tpu.memory_space<vmem>>
      %dma_start3A_706 = tpu.memref_squeeze %dma_start3A_705 : memref<1x256x128xf32, #tpu.memory_space<vmem>> -> memref<256x128xf32, #tpu.memory_space<vmem>>
      %dma_start3A_707 = arith.constant 0 : i32
      %dma_start3A_708 = tpu.memref_slice %arg4[%add3A_701, %dma_start3A_707] : memref<819200x128xf32, #tpu.memory_space<hbm>> -> memref<256x128xf32, #tpu.memory_space<hbm>>
      %dma_start3A_709 = arith.constant 0 : i32
      %dma_start3A_710 = tpu.memref_slice %arg4[%add3A_701, %dma_start3A_709] : memref<819200x128xf32, #tpu.memory_space<hbm>> -> memref<256x128xf32, #tpu.memory_space<hbm>>
      %dma_start3A_711 = arith.constant 0 : i32
      %dma_start3A_712 = arith.constant 0 : i32
      %dma_start3A_713 = tpu.memref_slice %arg7[%dma_start3A_702, %dma_start3A_711, %dma_start3A_712] : memref<3x256x128xf32, #tpu.memory_space<vmem>> -> memref<1x256x128xf32, #tpu.memory_space<vmem>>
      %dma_start3A_714 = tpu.memref_squeeze %dma_start3A_713 : memref<1x256x128xf32, #tpu.memory_space<vmem>> -> memref<256x128xf32, #tpu.memory_space<vmem>>
      tpu.enqueue_dma source(%dma_start3A_714 : memref<256x128xf32, #tpu.memory_space<vmem>>) target(%dma_start3A_710 : memref<256x128xf32, #tpu.memory_space<hbm>>) target_semaphore(%arg10 : memref<!tpu.dma_semaphore, #tpu.memory_space<semaphore_mem>>)
      %scan3A_715 = arith.constant 0 : i32
      %scan3A_716 = arith.constant 256 : i32
      %scan3A_717 = arith.addi %scan3A_715, %scan3A_716 : i32
      %scan3A_718 = arith.constant 1 : i32
      %scan3A_719:8 = scf.for %scan3A_863 = %scan3A_715 to %scan3A_717 step %scan3A_718 iter_args(%scan3A_864 = %scan3A_624#0, %scan3A_865 = %scan3A_624#1, %scan3A_866 = %scan3A_624#2, %scan3A_867 = %scan3A_624#3, %scan3A_868 = %scan3A_624#4, %scan3A_869 = %scan3A_624#5, %scan3A_870 = %scan3A_624#6, %scan3A_871 = %scan3A_624#7) -> (vector<16xf32>, vector<16xf32>, vector<16xf32>, vector<16xf32>, vector<16xf32>, vector<16xf32>, vector<16xf32>, vector<16xf32>)  : i32 {
        %get3A = arith.constant 1 : i32
        %get3A_872 = arith.index_cast %get3A : i32 to index
        %get3A_873 = arith.index_cast %scan3A_863 : i32 to index
        %get3A_874 = arith.constant 0 : index
        %get3A_875 = tpu.vector_load %arg7[%get3A_872, %get3A_873, %get3A_874] {strides = array<i32>} : memref<3x256x128xf32, #tpu.memory_space<vmem>>, vector<1x1x16xf32>,
        %get3A_876 = vector.shape_cast %get3A_875 : vector<1x1x16xf32> to vector<16xf32>
        %add3A_877 = arith.addf %scan3A_864, %get3A_876 : vector<16xf32>
        %get3A_878 = arith.constant 1 : i32
        %get3A_879 = arith.index_cast %get3A_878 : i32 to index
        %get3A_880 = arith.index_cast %scan3A_863 : i32 to index
        %get3A_881 = arith.constant 16 : index
        %get3A_882 = tpu.vector_load %arg7[%get3A_879, %get3A_880, %get3A_881] {strides = array<i32>} : memref<3x256x128xf32, #tpu.memory_space<vmem>>, vector<1x1x16xf32>,
        %get3A_883 = vector.shape_cast %get3A_882 : vector<1x1x16xf32> to vector<16xf32>
        %add3A_884 = arith.addf %scan3A_865, %get3A_883 : vector<16xf32>
        %get3A_885 = arith.constant 1 : i32
        %get3A_886 = arith.index_cast %get3A_885 : i32 to index
        %get3A_887 = arith.index_cast %scan3A_863 : i32 to index
        %get3A_888 = arith.constant 32 : index
        %get3A_889 = tpu.vector_load %arg7[%get3A_886, %get3A_887, %get3A_888] {strides = array<i32>} : memref<3x256x128xf32, #tpu.memory_space<vmem>>, vector<1x1x16xf32>,
        %get3A_890 = vector.shape_cast %get3A_889 : vector<1x1x16xf32> to vector<16xf32>
        %add3A_891 = arith.addf %scan3A_866, %get3A_890 : vector<16xf32>
        %get3A_892 = arith.constant 1 : i32
        %get3A_893 = arith.index_cast %get3A_892 : i32 to index
        %get3A_894 = arith.index_cast %scan3A_863 : i32 to index
        %get3A_895 = arith.constant 48 : index
        %get3A_896 = tpu.vector_load %arg7[%get3A_893, %get3A_894, %get3A_895] {strides = array<i32>} : memref<3x256x128xf32, #tpu.memory_space<vmem>>, vector<1x1x16xf32>,
        %get3A_897 = vector.shape_cast %get3A_896 : vector<1x1x16xf32> to vector<16xf32>
        %add3A_898 = arith.addf %scan3A_867, %get3A_897 : vector<16xf32>
        %get3A_899 = arith.constant 1 : i32
        %get3A_900 = arith.index_cast %get3A_899 : i32 to index
        %get3A_901 = arith.index_cast %scan3A_863 : i32 to index
        %get3A_902 = arith.constant 64 : index
        %get3A_903 = tpu.vector_load %arg7[%get3A_900, %get3A_901, %get3A_902] {strides = array<i32>} : memref<3x256x128xf32, #tpu.memory_space<vmem>>, vector<1x1x16xf32>,
        %get3A_904 = vector.shape_cast %get3A_903 : vector<1x1x16xf32> to vector<16xf32>
        %add3A_905 = arith.addf %scan3A_868, %get3A_904 : vector<16xf32>
        %get3A_906 = arith.constant 1 : i32
        %get3A_907 = arith.index_cast %get3A_906 : i32 to index
        %get3A_908 = arith.index_cast %scan3A_863 : i32 to index
        %get3A_909 = arith.constant 80 : index
        %get3A_910 = tpu.vector_load %arg7[%get3A_907, %get3A_908, %get3A_909] {strides = array<i32>} : memref<3x256x128xf32, #tpu.memory_space<vmem>>, vector<1x1x16xf32>,
        %get3A_911 = vector.shape_cast %get3A_910 : vector<1x1x16xf32> to vector<16xf32>
        %add3A_912 = arith.addf %scan3A_869, %get3A_911 : vector<16xf32>
        %get3A_913 = arith.constant 1 : i32
        %get3A_914 = arith.index_cast %get3A_913 : i32 to index
        %get3A_915 = arith.index_cast %scan3A_863 : i32 to index
        %get3A_916 = arith.constant 96 : index
        %get3A_917 = tpu.vector_load %arg7[%get3A_914, %get3A_915, %get3A_916] {strides = array<i32>} : memref<3x256x128xf32, #tpu.memory_space<vmem>>, vector<1x1x16xf32>,
        %get3A_918 = vector.shape_cast %get3A_917 : vector<1x1x16xf32> to vector<16xf32>
        %add3A_919 = arith.addf %scan3A_870, %get3A_918 : vector<16xf32>
        %get3A_920 = arith.constant 1 : i32
        %get3A_921 = arith.index_cast %get3A_920 : i32 to index
        %get3A_922 = arith.index_cast %scan3A_863 : i32 to index
        %get3A_923 = arith.constant 112 : index
        %get3A_924 = tpu.vector_load %arg7[%get3A_921, %get3A_922, %get3A_923] {strides = array<i32>} : memref<3x256x128xf32, #tpu.memory_space<vmem>>, vector<1x1x16xf32>,
        %get3A_925 = vector.shape_cast %get3A_924 : vector<1x1x16xf32> to vector<16xf32>
        %add3A_926 = arith.addf %scan3A_871, %get3A_925 : vector<16xf32>
        scf.yield %add3A_877, %add3A_884, %add3A_891, %add3A_898, %add3A_905, %add3A_912, %add3A_919, %add3A_926 : vector<16xf32>, vector<16xf32>, vector<16xf32>, vector<16xf32>, vector<16xf32>, vector<16xf32>, vector<16xf32>, vector<16xf32>
      }
      %scan3A_720 = arith.constant 256 : i32
      %sub3A_721 = arith.constant 1 : i32
      %sub3A_722 = arith.subi %add3A_672, %sub3A_721 : i32
      %mul3A_723 = arith.constant 256 : i32
      %mul3A_724 = arith.muli %sub3A_722, %mul3A_723 : i32
      %add3A_725 = arith.addi %mul3A_2, %mul3A_724 : i32
      %dma_wait3A_726 = arith.constant 0 : i32
      %dma_wait3A_727 = arith.constant 0 : i32
      %dma_wait3A_728 = arith.constant 0 : i32
      %dma_wait3A_729 = tpu.memref_slice %arg7[%dma_wait3A_726, %dma_wait3A_727, %dma_wait3A_728] : memref<3x256x128xf32, #tpu.memory_space<vmem>> -> memref<1x256x128xf32, #tpu.memory_space<vmem>>
      %dma_wait3A_730 = tpu.memref_squeeze %dma_wait3A_729 : memref<1x256x128xf32, #tpu.memory_space<vmem>> -> memref<256x128xf32, #tpu.memory_space<vmem>>
      %dma_wait3A_731 = arith.constant 0 : i32
      %dma_wait3A_732 = tpu.memref_slice %arg4[%add3A_725, %dma_wait3A_731] : memref<819200x128xf32, #tpu.memory_space<hbm>> -> memref<256x128xf32, #tpu.memory_space<hbm>>
      %dma_wait3A_733 = arith.constant 0 : i32
      %dma_wait3A_734 = tpu.memref_slice %arg4[%add3A_725, %dma_wait3A_733] : memref<819200x128xf32, #tpu.memory_space<hbm>> -> memref<256x128xf32, #tpu.memory_space<hbm>>
      %dma_wait3A_735 = arith.constant 0 : i32
      %dma_wait3A_736 = arith.constant 0 : i32
      %dma_wait3A_737 = tpu.memref_slice %arg7[%dma_wait3A_726, %dma_wait3A_735, %dma_wait3A_736] : memref<3x256x128xf32, #tpu.memory_space<vmem>> -> memref<1x256x128xf32, #tpu.memory_space<vmem>>
      %dma_wait3A_738 = tpu.memref_squeeze %dma_wait3A_737 : memref<1x256x128xf32, #tpu.memory_space<vmem>> -> memref<256x128xf32, #tpu.memory_space<vmem>>
      tpu.wait_dma2 semaphore(%arg10 : memref<!tpu.dma_semaphore, #tpu.memory_space<semaphore_mem>>) src(%dma_wait3A_738 : memref<256x128xf32, #tpu.memory_space<vmem>>) dst(%dma_wait3A_734 : memref<256x128xf32, #tpu.memory_space<hbm>>)
      %add3A_739 = arith.constant 2 : i32
      %add3A_740 = arith.addi %add3A_672, %add3A_739 : i32
      %mul3A_741 = arith.constant 256 : i32
      %mul3A_742 = arith.muli %add3A_740, %mul3A_741 : i32
      %add3A_743 = arith.constant 0 : i32
      %add3A_744 = arith.addi %mul3A_742, %add3A_743 : i32
      %dma_start3A_745 = arith.constant 0 : i32
      %dma_start3A_746 = arith.constant 0 : i32
      %dma_start3A_747 = arith.constant 0 : i32
      %dma_start3A_748 = tpu.memref_slice %arg7[%dma_start3A_745, %dma_start3A_746, %dma_start3A_747] : memref<3x256x128xf32, #tpu.memory_space<vmem>> -> memref<1x128x128xf32, #tpu.memory_space<vmem>>
      %dma_start3A_749 = tpu.memref_squeeze %dma_start3A_748 : memref<1x128x128xf32, #tpu.memory_space<vmem>> -> memref<128x128xf32, #tpu.memory_space<vmem>>
      %dma_start3A_750 = tpu.memref_slice %arg6[%add3A_744] : memref<25600xi32, #tpu.memory_space<vmem>> -> memref<128xi32, #tpu.memory_space<vmem>>
      %dma_start3A_751 = arith.constant 0 : i32
      %dma_start3A_752 = arith.constant 0 : i32
      %dma_start3A_753 = tpu.memref_slice %arg2[%dma_start3A_751, %dma_start3A_752] : memref<100000x128xf32, #tpu.memory_space<hbm>> -> memref<100000x128xf32, #tpu.memory_space<hbm>>
      tpu.enqueue_indirect_dma source(%dma_start3A_753 : memref<100000x128xf32, #tpu.memory_space<hbm>>) target(%dma_start3A_749 : memref<128x128xf32, #tpu.memory_space<vmem>>) offsets(%dma_start3A_750 : memref<128xi32, #tpu.memory_space<vmem>>) semaphore(%arg9 : memref<!tpu.dma_semaphore, #tpu.memory_space<semaphore_mem>>)
      %mul3A_754 = arith.constant 256 : i32
      %mul3A_755 = arith.muli %add3A_740, %mul3A_754 : i32
      %add3A_756 = arith.constant 128 : i32
      %add3A_757 = arith.addi %mul3A_755, %add3A_756 : i32
      %dma_start3A_758 = arith.constant 0 : i32
      %dma_start3A_759 = arith.constant 128 : i32
      %dma_start3A_760 = arith.constant 0 : i32
      %dma_start3A_761 = tpu.memref_slice %arg7[%dma_start3A_758, %dma_start3A_759, %dma_start3A_760] : memref<3x256x128xf32, #tpu.memory_space<vmem>> -> memref<1x128x128xf32, #tpu.memory_space<vmem>>
      %dma_start3A_762 = tpu.memref_squeeze %dma_start3A_761 : memref<1x128x128xf32, #tpu.memory_space<vmem>> -> memref<128x128xf32, #tpu.memory_space<vmem>>
      %dma_start3A_763 = tpu.memref_slice %arg6[%add3A_757] : memref<25600xi32, #tpu.memory_space<vmem>> -> memref<128xi32, #tpu.memory_space<vmem>>
      %dma_start3A_764 = arith.constant 0 : i32
      %dma_start3A_765 = arith.constant 0 : i32
      %dma_start3A_766 = tpu.memref_slice %arg2[%dma_start3A_764, %dma_start3A_765] : memref<100000x128xf32, #tpu.memory_space<hbm>> -> memref<100000x128xf32, #tpu.memory_space<hbm>>
      tpu.enqueue_indirect_dma source(%dma_start3A_766 : memref<100000x128xf32, #tpu.memory_space<hbm>>) target(%dma_start3A_762 : memref<128x128xf32, #tpu.memory_space<vmem>>) offsets(%dma_start3A_763 : memref<128xi32, #tpu.memory_space<vmem>>) semaphore(%arg9 : memref<!tpu.dma_semaphore, #tpu.memory_space<semaphore_mem>>)
      %add3A_767 = arith.constant 2 : i32
      %add3A_768 = arith.addi %mul3A_575, %add3A_767 : i32
      %mul3A_769 = arith.constant 256 : i32
      %mul3A_770 = arith.muli %add3A_768, %mul3A_769 : i32
      %add3A_771 = arith.constant 0 : i32
      %add3A_772 = arith.addi %mul3A_770, %add3A_771 : i32
      %dma_wait3A_773 = arith.constant 2 : i32
      %dma_wait3A_774 = arith.constant 0 : i32
      %dma_wait3A_775 = arith.constant 0 : i32
      %dma_wait3A_776 = tpu.memref_slice %arg7[%dma_wait3A_773, %dma_wait3A_774, %dma_wait3A_775] : memref<3x256x128xf32, #tpu.memory_space<vmem>> -> memref<1x128x128xf32, #tpu.memory_space<vmem>>
      %dma_wait3A_777 = tpu.memref_squeeze %dma_wait3A_776 : memref<1x128x128xf32, #tpu.memory_space<vmem>> -> memref<128x128xf32, #tpu.memory_space<vmem>>
      %dma_wait3A_778 = tpu.memref_slice %arg6[%add3A_772] : memref<25600xi32, #tpu.memory_space<vmem>> -> memref<128xi32, #tpu.memory_space<vmem>>
      %dma_wait3A_779 = arith.constant 0 : i32
      %dma_wait3A_780 = arith.constant 0 : i32
      %dma_wait3A_781 = tpu.memref_slice %arg2[%dma_wait3A_779, %dma_wait3A_780] : memref<100000x128xf32, #tpu.memory_space<hbm>> -> memref<100000x128xf32, #tpu.memory_space<hbm>>
      tpu.wait_indirect_dma semaphore(%arg9 : memref<!tpu.dma_semaphore, #tpu.memory_space<semaphore_mem>>) src(%dma_wait3A_781 : memref<100000x128xf32, #tpu.memory_space<hbm>>) dst(%dma_wait3A_777 : memref<128x128xf32, #tpu.memory_space<vmem>>)
      %mul3A_782 = arith.constant 256 : i32
      %mul3A_783 = arith.muli %add3A_768, %mul3A_782 : i32
      %add3A_784 = arith.constant 128 : i32
      %add3A_785 = arith.addi %mul3A_783, %add3A_784 : i32
      %dma_wait3A_786 = arith.constant 2 : i32
      %dma_wait3A_787 = arith.constant 128 : i32
      %dma_wait3A_788 = arith.constant 0 : i32
      %dma_wait3A_789 = tpu.memref_slice %arg7[%dma_wait3A_786, %dma_wait3A_787, %dma_wait3A_788] : memref<3x256x128xf32, #tpu.memory_space<vmem>> -> memref<1x128x128xf32, #tpu.memory_space<vmem>>
      %dma_wait3A_790 = tpu.memref_squeeze %dma_wait3A_789 : memref<1x128x128xf32, #tpu.memory_space<vmem>> -> memref<128x128xf32, #tpu.memory_space<vmem>>
      %dma_wait3A_791 = tpu.memref_slice %arg6[%add3A_785] : memref<25600xi32, #tpu.memory_space<vmem>> -> memref<128xi32, #tpu.memory_space<vmem>>
      %dma_wait3A_792 = arith.constant 0 : i32
      %dma_wait3A_793 = arith.constant 0 : i32
      %dma_wait3A_794 = tpu.memref_slice %arg2[%dma_wait3A_792, %dma_wait3A_793] : memref<100000x128xf32, #tpu.memory_space<hbm>> -> memref<100000x128xf32, #tpu.memory_space<hbm>>
      tpu.wait_indirect_dma semaphore(%arg9 : memref<!tpu.dma_semaphore, #tpu.memory_space<semaphore_mem>>) src(%dma_wait3A_794 : memref<100000x128xf32, #tpu.memory_space<hbm>>) dst(%dma_wait3A_790 : memref<128x128xf32, #tpu.memory_space<vmem>>)
      %mul3A_795 = arith.constant 256 : i32
      %mul3A_796 = arith.muli %add3A_768, %mul3A_795 : i32
      %add3A_797 = arith.addi %mul3A_2, %mul3A_796 : i32
      %dma_start3A_798 = arith.constant 2 : i32
      %dma_start3A_799 = arith.constant 0 : i32
      %dma_start3A_800 = arith.constant 0 : i32
      %dma_start3A_801 = tpu.memref_slice %arg7[%dma_start3A_798, %dma_start3A_799, %dma_start3A_800] : memref<3x256x128xf32, #tpu.memory_space<vmem>> -> memref<1x256x128xf32, #tpu.memory_space<vmem>>
      %dma_start3A_802 = tpu.memref_squeeze %dma_start3A_801 : memref<1x256x128xf32, #tpu.memory_space<vmem>> -> memref<256x128xf32, #tpu.memory_space<vmem>>
      %dma_start3A_803 = arith.constant 0 : i32
      %dma_start3A_804 = tpu.memref_slice %arg4[%add3A_797, %dma_start3A_803] : memref<819200x128xf32, #tpu.memory_space<hbm>> -> memref<256x128xf32, #tpu.memory_space<hbm>>
      %dma_start3A_805 = arith.constant 0 : i32
      %dma_start3A_806 = tpu.memref_slice %arg4[%add3A_797, %dma_start3A_805] : memref<819200x128xf32, #tpu.memory_space<hbm>> -> memref<256x128xf32, #tpu.memory_space<hbm>>
      %dma_start3A_807 = arith.constant 0 : i32
      %dma_start3A_808 = arith.constant 0 : i32
      %dma_start3A_809 = tpu.memref_slice %arg7[%dma_start3A_798, %dma_start3A_807, %dma_start3A_808] : memref<3x256x128xf32, #tpu.memory_space<vmem>> -> memref<1x256x128xf32, #tpu.memory_space<vmem>>
      %dma_start3A_810 = tpu.memref_squeeze %dma_start3A_809 : memref<1x256x128xf32, #tpu.memory_space<vmem>> -> memref<256x128xf32, #tpu.memory_space<vmem>>
      tpu.enqueue_dma source(%dma_start3A_810 : memref<256x128xf32, #tpu.memory_space<vmem>>) target(%dma_start3A_806 : memref<256x128xf32, #tpu.memory_space<hbm>>) target_semaphore(%arg10 : memref<!tpu.dma_semaphore, #tpu.memory_space<semaphore_mem>>)
      %scan3A_811 = arith.constant 0 : i32
      %scan3A_812 = arith.constant 256 : i32
      %scan3A_813 = arith.addi %scan3A_811, %scan3A_812 : i32
      %scan3A_814 = arith.constant 1 : i32
      %scan3A_815:8 = scf.for %scan3A_863 = %scan3A_811 to %scan3A_813 step %scan3A_814 iter_args(%scan3A_864 = %scan3A_719#0, %scan3A_865 = %scan3A_719#1, %scan3A_866 = %scan3A_719#2, %scan3A_867 = %scan3A_719#3, %scan3A_868 = %scan3A_719#4, %scan3A_869 = %scan3A_719#5, %scan3A_870 = %scan3A_719#6, %scan3A_871 = %scan3A_719#7) -> (vector<16xf32>, vector<16xf32>, vector<16xf32>, vector<16xf32>, vector<16xf32>, vector<16xf32>, vector<16xf32>, vector<16xf32>)  : i32 {
        %get3A = arith.constant 2 : i32
        %get3A_872 = arith.index_cast %get3A : i32 to index
        %get3A_873 = arith.index_cast %scan3A_863 : i32 to index
        %get3A_874 = arith.constant 0 : index
        %get3A_875 = tpu.vector_load %arg7[%get3A_872, %get3A_873, %get3A_874] {strides = array<i32>} : memref<3x256x128xf32, #tpu.memory_space<vmem>>, vector<1x1x16xf32>,
        %get3A_876 = vector.shape_cast %get3A_875 : vector<1x1x16xf32> to vector<16xf32>
        %add3A_877 = arith.addf %scan3A_864, %get3A_876 : vector<16xf32>
        %get3A_878 = arith.constant 2 : i32
        %get3A_879 = arith.index_cast %get3A_878 : i32 to index
        %get3A_880 = arith.index_cast %scan3A_863 : i32 to index
        %get3A_881 = arith.constant 16 : index
        %get3A_882 = tpu.vector_load %arg7[%get3A_879, %get3A_880, %get3A_881] {strides = array<i32>} : memref<3x256x128xf32, #tpu.memory_space<vmem>>, vector<1x1x16xf32>,
        %get3A_883 = vector.shape_cast %get3A_882 : vector<1x1x16xf32> to vector<16xf32>
        %add3A_884 = arith.addf %scan3A_865, %get3A_883 : vector<16xf32>
        %get3A_885 = arith.constant 2 : i32
        %get3A_886 = arith.index_cast %get3A_885 : i32 to index
        %get3A_887 = arith.index_cast %scan3A_863 : i32 to index
        %get3A_888 = arith.constant 32 : index
        %get3A_889 = tpu.vector_load %arg7[%get3A_886, %get3A_887, %get3A_888] {strides = array<i32>} : memref<3x256x128xf32, #tpu.memory_space<vmem>>, vector<1x1x16xf32>,
        %get3A_890 = vector.shape_cast %get3A_889 : vector<1x1x16xf32> to vector<16xf32>
        %add3A_891 = arith.addf %scan3A_866, %get3A_890 : vector<16xf32>
        %get3A_892 = arith.constant 2 : i32
        %get3A_893 = arith.index_cast %get3A_892 : i32 to index
        %get3A_894 = arith.index_cast %scan3A_863 : i32 to index
        %get3A_895 = arith.constant 48 : index
        %get3A_896 = tpu.vector_load %arg7[%get3A_893, %get3A_894, %get3A_895] {strides = array<i32>} : memref<3x256x128xf32, #tpu.memory_space<vmem>>, vector<1x1x16xf32>,
        %get3A_897 = vector.shape_cast %get3A_896 : vector<1x1x16xf32> to vector<16xf32>
        %add3A_898 = arith.addf %scan3A_867, %get3A_897 : vector<16xf32>
        %get3A_899 = arith.constant 2 : i32
        %get3A_900 = arith.index_cast %get3A_899 : i32 to index
        %get3A_901 = arith.index_cast %scan3A_863 : i32 to index
        %get3A_902 = arith.constant 64 : index
        %get3A_903 = tpu.vector_load %arg7[%get3A_900, %get3A_901, %get3A_902] {strides = array<i32>} : memref<3x256x128xf32, #tpu.memory_space<vmem>>, vector<1x1x16xf32>,
        %get3A_904 = vector.shape_cast %get3A_903 : vector<1x1x16xf32> to vector<16xf32>
        %add3A_905 = arith.addf %scan3A_868, %get3A_904 : vector<16xf32>
        %get3A_906 = arith.constant 2 : i32
        %get3A_907 = arith.index_cast %get3A_906 : i32 to index
        %get3A_908 = arith.index_cast %scan3A_863 : i32 to index
        %get3A_909 = arith.constant 80 : index
        %get3A_910 = tpu.vector_load %arg7[%get3A_907, %get3A_908, %get3A_909] {strides = array<i32>} : memref<3x256x128xf32, #tpu.memory_space<vmem>>, vector<1x1x16xf32>,
        %get3A_911 = vector.shape_cast %get3A_910 : vector<1x1x16xf32> to vector<16xf32>
        %add3A_912 = arith.addf %scan3A_869, %get3A_911 : vector<16xf32>
        %get3A_913 = arith.constant 2 : i32
        %get3A_914 = arith.index_cast %get3A_913 : i32 to index
        %get3A_915 = arith.index_cast %scan3A_863 : i32 to index
        %get3A_916 = arith.constant 96 : index
        %get3A_917 = tpu.vector_load %arg7[%get3A_914, %get3A_915, %get3A_916] {strides = array<i32>} : memref<3x256x128xf32, #tpu.memory_space<vmem>>, vector<1x1x16xf32>,
        %get3A_918 = vector.shape_cast %get3A_917 : vector<1x1x16xf32> to vector<16xf32>
        %add3A_919 = arith.addf %scan3A_870, %get3A_918 : vector<16xf32>
        %get3A_920 = arith.constant 2 : i32
        %get3A_921 = arith.index_cast %get3A_920 : i32 to index
        %get3A_922 = arith.index_cast %scan3A_863 : i32 to index
        %get3A_923 = arith.constant 112 : index
        %get3A_924 = tpu.vector_load %arg7[%get3A_921, %get3A_922, %get3A_923] {strides = array<i32>} : memref<3x256x128xf32, #tpu.memory_space<vmem>>, vector<1x1x16xf32>,
        %get3A_925 = vector.shape_cast %get3A_924 : vector<1x1x16xf32> to vector<16xf32>
        %add3A_926 = arith.addf %scan3A_871, %get3A_925 : vector<16xf32>
        scf.yield %add3A_877, %add3A_884, %add3A_891, %add3A_898, %add3A_905, %add3A_912, %add3A_919, %add3A_926 : vector<16xf32>, vector<16xf32>, vector<16xf32>, vector<16xf32>, vector<16xf32>, vector<16xf32>, vector<16xf32>, vector<16xf32>
      }
      %scan3A_816 = arith.constant 256 : i32
      %sub3A_817 = arith.constant 1 : i32
      %sub3A_818 = arith.subi %add3A_768, %sub3A_817 : i32
      %mul3A_819 = arith.constant 256 : i32
      %mul3A_820 = arith.muli %sub3A_818, %mul3A_819 : i32
      %add3A_821 = arith.addi %mul3A_2, %mul3A_820 : i32
      %dma_wait3A_822 = arith.constant 1 : i32
      %dma_wait3A_823 = arith.constant 0 : i32
      %dma_wait3A_824 = arith.constant 0 : i32
      %dma_wait3A_825 = tpu.memref_slice %arg7[%dma_wait3A_822, %dma_wait3A_823, %dma_wait3A_824] : memref<3x256x128xf32, #tpu.memory_space<vmem>> -> memref<1x256x128xf32, #tpu.memory_space<vmem>>
      %dma_wait3A_826 = tpu.memref_squeeze %dma_wait3A_825 : memref<1x256x128xf32, #tpu.memory_space<vmem>> -> memref<256x128xf32, #tpu.memory_space<vmem>>
      %dma_wait3A_827 = arith.constant 0 : i32
      %dma_wait3A_828 = tpu.memref_slice %arg4[%add3A_821, %dma_wait3A_827] : memref<819200x128xf32, #tpu.memory_space<hbm>> -> memref<256x128xf32, #tpu.memory_space<hbm>>
      %dma_wait3A_829 = arith.constant 0 : i32
      %dma_wait3A_830 = tpu.memref_slice %arg4[%add3A_821, %dma_wait3A_829] : memref<819200x128xf32, #tpu.memory_space<hbm>> -> memref<256x128xf32, #tpu.memory_space<hbm>>
      %dma_wait3A_831 = arith.constant 0 : i32
      %dma_wait3A_832 = arith.constant 0 : i32
      %dma_wait3A_833 = tpu.memref_slice %arg7[%dma_wait3A_822, %dma_wait3A_831, %dma_wait3A_832] : memref<3x256x128xf32, #tpu.memory_space<vmem>> -> memref<1x256x128xf32, #tpu.memory_space<vmem>>
      %dma_wait3A_834 = tpu.memref_squeeze %dma_wait3A_833 : memref<1x256x128xf32, #tpu.memory_space<vmem>> -> memref<256x128xf32, #tpu.memory_space<vmem>>
      tpu.wait_dma2 semaphore(%arg10 : memref<!tpu.dma_semaphore, #tpu.memory_space<semaphore_mem>>) src(%dma_wait3A_834 : memref<256x128xf32, #tpu.memory_space<vmem>>) dst(%dma_wait3A_830 : memref<256x128xf32, #tpu.memory_space<hbm>>)
      %add3A_835 = arith.constant 2 : i32
      %add3A_836 = arith.addi %add3A_768, %add3A_835 : i32
      %mul3A_837 = arith.constant 256 : i32
      %mul3A_838 = arith.muli %add3A_836, %mul3A_837 : i32
      %add3A_839 = arith.constant 0 : i32
      %add3A_840 = arith.addi %mul3A_838, %add3A_839 : i32
      %dma_start3A_841 = arith.constant 1 : i32
      %dma_start3A_842 = arith.constant 0 : i32
      %dma_start3A_843 = arith.constant 0 : i32
      %dma_start3A_844 = tpu.memref_slice %arg7[%dma_start3A_841, %dma_start3A_842, %dma_start3A_843] : memref<3x256x128xf32, #tpu.memory_space<vmem>> -> memref<1x128x128xf32, #tpu.memory_space<vmem>>
      %dma_start3A_845 = tpu.memref_squeeze %dma_start3A_844 : memref<1x128x128xf32, #tpu.memory_space<vmem>> -> memref<128x128xf32, #tpu.memory_space<vmem>>
      %dma_start3A_846 = tpu.memref_slice %arg6[%add3A_840] : memref<25600xi32, #tpu.memory_space<vmem>> -> memref<128xi32, #tpu.memory_space<vmem>>
      %dma_start3A_847 = arith.constant 0 : i32
      %dma_start3A_848 = arith.constant 0 : i32
      %dma_start3A_849 = tpu.memref_slice %arg2[%dma_start3A_847, %dma_start3A_848] : memref<100000x128xf32, #tpu.memory_space<hbm>> -> memref<100000x128xf32, #tpu.memory_space<hbm>>
      tpu.enqueue_indirect_dma source(%dma_start3A_849 : memref<100000x128xf32, #tpu.memory_space<hbm>>) target(%dma_start3A_845 : memref<128x128xf32, #tpu.memory_space<vmem>>) offsets(%dma_start3A_846 : memref<128xi32, #tpu.memory_space<vmem>>) semaphore(%arg9 : memref<!tpu.dma_semaphore, #tpu.memory_space<semaphore_mem>>)
      %mul3A_850 = arith.constant 256 : i32
      %mul3A_851 = arith.muli %add3A_836, %mul3A_850 : i32
      %add3A_852 = arith.constant 128 : i32
      %add3A_853 = arith.addi %mul3A_851, %add3A_852 : i32
      %dma_start3A_854 = arith.constant 1 : i32
      %dma_start3A_855 = arith.constant 128 : i32
      %dma_start3A_856 = arith.constant 0 : i32
      %dma_start3A_857 = tpu.memref_slice %arg7[%dma_start3A_854, %dma_start3A_855, %dma_start3A_856] : memref<3x256x128xf32, #tpu.memory_space<vmem>> -> memref<1x128x128xf32, #tpu.memory_space<vmem>>
      %dma_start3A_858 = tpu.memref_squeeze %dma_start3A_857 : memref<1x128x128xf32, #tpu.memory_space<vmem>> -> memref<128x128xf32, #tpu.memory_space<vmem>>
      %dma_start3A_859 = tpu.memref_slice %arg6[%add3A_853] : memref<25600xi32, #tpu.memory_space<vmem>> -> memref<128xi32, #tpu.memory_space<vmem>>
      %dma_start3A_860 = arith.constant 0 : i32
      %dma_start3A_861 = arith.constant 0 : i32
      %dma_start3A_862 = tpu.memref_slice %arg2[%dma_start3A_860, %dma_start3A_861] : memref<100000x128xf32, #tpu.memory_space<hbm>> -> memref<100000x128xf32, #tpu.memory_space<hbm>>
      tpu.enqueue_indirect_dma source(%dma_start3A_862 : memref<100000x128xf32, #tpu.memory_space<hbm>>) target(%dma_start3A_858 : memref<128x128xf32, #tpu.memory_space<vmem>>) offsets(%dma_start3A_859 : memref<128xi32, #tpu.memory_space<vmem>>) semaphore(%arg9 : memref<!tpu.dma_semaphore, #tpu.memory_space<semaphore_mem>>)
      scf.yield %scan3A_815#0, %scan3A_815#1, %scan3A_815#2, %scan3A_815#3, %scan3A_815#4, %scan3A_815#5, %scan3A_815#6, %scan3A_815#7 : vector<16xf32>, vector<16xf32>, vector<16xf32>, vector<16xf32>, vector<16xf32>, vector<16xf32>, vector<16xf32>, vector<16xf32>
    }
    %scan3A_273 = arith.constant 31 : i32
    %dma_wait3A_274 = arith.constant 0 : i32
    %dma_wait3A_275 = arith.constant 0 : i32
    %dma_wait3A_276 = arith.constant 0 : i32
    %dma_wait3A_277 = tpu.memref_slice %arg7[%dma_wait3A_274, %dma_wait3A_275, %dma_wait3A_276] : memref<3x256x128xf32, #tpu.memory_space<vmem>> -> memref<1x128x128xf32, #tpu.memory_space<vmem>>
    %dma_wait3A_278 = tpu.memref_squeeze %dma_wait3A_277 : memref<1x128x128xf32, #tpu.memory_space<vmem>> -> memref<128x128xf32, #tpu.memory_space<vmem>>
    %dma_wait3A_279 = arith.constant 24576 : i32
    %dma_wait3A_280 = tpu.memref_slice %arg6[%dma_wait3A_279] : memref<25600xi32, #tpu.memory_space<vmem>> -> memref<128xi32, #tpu.memory_space<vmem>>
    %dma_wait3A_281 = arith.constant 0 : i32
    %dma_wait3A_282 = arith.constant 0 : i32
    %dma_wait3A_283 = tpu.memref_slice %arg2[%dma_wait3A_281, %dma_wait3A_282] : memref<100000x128xf32, #tpu.memory_space<hbm>> -> memref<100000x128xf32, #tpu.memory_space<hbm>>
    tpu.wait_indirect_dma semaphore(%arg9 : memref<!tpu.dma_semaphore, #tpu.memory_space<semaphore_mem>>) src(%dma_wait3A_283 : memref<100000x128xf32, #tpu.memory_space<hbm>>) dst(%dma_wait3A_278 : memref<128x128xf32, #tpu.memory_space<vmem>>)
    %dma_wait3A_284 = arith.constant 0 : i32
    %dma_wait3A_285 = arith.constant 128 : i32
    %dma_wait3A_286 = arith.constant 0 : i32
    %dma_wait3A_287 = tpu.memref_slice %arg7[%dma_wait3A_284, %dma_wait3A_285, %dma_wait3A_286] : memref<3x256x128xf32, #tpu.memory_space<vmem>> -> memref<1x128x128xf32, #tpu.memory_space<vmem>>
    %dma_wait3A_288 = tpu.memref_squeeze %dma_wait3A_287 : memref<1x128x128xf32, #tpu.memory_space<vmem>> -> memref<128x128xf32, #tpu.memory_space<vmem>>
    %dma_wait3A_289 = arith.constant 24704 : i32
    %dma_wait3A_290 = tpu.memref_slice %arg6[%dma_wait3A_289] : memref<25600xi32, #tpu.memory_space<vmem>> -> memref<128xi32, #tpu.memory_space<vmem>>
    %dma_wait3A_291 = arith.constant 0 : i32
    %dma_wait3A_292 = arith.constant 0 : i32
    %dma_wait3A_293 = tpu.memref_slice %arg2[%dma_wait3A_291, %dma_wait3A_292] : memref<100000x128xf32, #tpu.memory_space<hbm>> -> memref<100000x128xf32, #tpu.memory_space<hbm>>
    tpu.wait_indirect_dma semaphore(%arg9 : memref<!tpu.dma_semaphore, #tpu.memory_space<semaphore_mem>>) src(%dma_wait3A_293 : memref<100000x128xf32, #tpu.memory_space<hbm>>) dst(%dma_wait3A_288 : memref<128x128xf32, #tpu.memory_space<vmem>>)
    %add3A_294 = arith.constant 24576 : i32
    %add3A_295 = arith.addi %mul3A_2, %add3A_294 : i32
    %dma_start3A_296 = arith.constant 0 : i32
    %dma_start3A_297 = arith.constant 0 : i32
    %dma_start3A_298 = arith.constant 0 : i32
    %dma_start3A_299 = tpu.memref_slice %arg7[%dma_start3A_296, %dma_start3A_297, %dma_start3A_298] : memref<3x256x128xf32, #tpu.memory_space<vmem>> -> memref<1x256x128xf32, #tpu.memory_space<vmem>>
    %dma_start3A_300 = tpu.memref_squeeze %dma_start3A_299 : memref<1x256x128xf32, #tpu.memory_space<vmem>> -> memref<256x128xf32, #tpu.memory_space<vmem>>
    %dma_start3A_301 = arith.constant 0 : i32
    %dma_start3A_302 = tpu.memref_slice %arg4[%add3A_295, %dma_start3A_301] : memref<819200x128xf32, #tpu.memory_space<hbm>> -> memref<256x128xf32, #tpu.memory_space<hbm>>
    %dma_start3A_303 = arith.constant 0 : i32
    %dma_start3A_304 = tpu.memref_slice %arg4[%add3A_295, %dma_start3A_303] : memref<819200x128xf32, #tpu.memory_space<hbm>> -> memref<256x128xf32, #tpu.memory_space<hbm>>
    %dma_start3A_305 = arith.constant 0 : i32
    %dma_start3A_306 = arith.constant 0 : i32
    %dma_start3A_307 = tpu.memref_slice %arg7[%dma_start3A_296, %dma_start3A_305, %dma_start3A_306] : memref<3x256x128xf32, #tpu.memory_space<vmem>> -> memref<1x256x128xf32, #tpu.memory_space<vmem>>
    %dma_start3A_308 = tpu.memref_squeeze %dma_start3A_307 : memref<1x256x128xf32, #tpu.memory_space<vmem>> -> memref<256x128xf32, #tpu.memory_space<vmem>>
    tpu.enqueue_dma source(%dma_start3A_308 : memref<256x128xf32, #tpu.memory_space<vmem>>) target(%dma_start3A_304 : memref<256x128xf32, #tpu.memory_space<hbm>>) target_semaphore(%arg10 : memref<!tpu.dma_semaphore, #tpu.memory_space<semaphore_mem>>)
    %scan3A_309 = arith.constant 0 : i32
    %scan3A_310 = arith.constant 256 : i32
    %scan3A_311 = arith.addi %scan3A_309, %scan3A_310 : i32
    %scan3A_312 = arith.constant 1 : i32
    %scan3A_313:8 = scf.for %scan3A_565 = %scan3A_309 to %scan3A_311 step %scan3A_312 iter_args(%scan3A_566 = %scan3A_272#0, %scan3A_567 = %scan3A_272#1, %scan3A_568 = %scan3A_272#2, %scan3A_569 = %scan3A_272#3, %scan3A_570 = %scan3A_272#4, %scan3A_571 = %scan3A_272#5, %scan3A_572 = %scan3A_272#6, %scan3A_573 = %scan3A_272#7) -> (vector<16xf32>, vector<16xf32>, vector<16xf32>, vector<16xf32>, vector<16xf32>, vector<16xf32>, vector<16xf32>, vector<16xf32>)  : i32 {
      %get3A = arith.constant 0 : i32
      %get3A_574 = arith.index_cast %get3A : i32 to index
      %get3A_575 = arith.index_cast %scan3A_565 : i32 to index
      %get3A_576 = arith.constant 0 : index
      %get3A_577 = tpu.vector_load %arg7[%get3A_574, %get3A_575, %get3A_576] {strides = array<i32>} : memref<3x256x128xf32, #tpu.memory_space<vmem>>, vector<1x1x16xf32>,
      %get3A_578 = vector.shape_cast %get3A_577 : vector<1x1x16xf32> to vector<16xf32>
      %add3A_579 = arith.addf %scan3A_566, %get3A_578 : vector<16xf32>
      %get3A_580 = arith.constant 0 : i32
      %get3A_581 = arith.index_cast %get3A_580 : i32 to index
      %get3A_582 = arith.index_cast %scan3A_565 : i32 to index
      %get3A_583 = arith.constant 16 : index
      %get3A_584 = tpu.vector_load %arg7[%get3A_581, %get3A_582, %get3A_583] {strides = array<i32>} : memref<3x256x128xf32, #tpu.memory_space<vmem>>, vector<1x1x16xf32>,
      %get3A_585 = vector.shape_cast %get3A_584 : vector<1x1x16xf32> to vector<16xf32>
      %add3A_586 = arith.addf %scan3A_567, %get3A_585 : vector<16xf32>
      %get3A_587 = arith.constant 0 : i32
      %get3A_588 = arith.index_cast %get3A_587 : i32 to index
      %get3A_589 = arith.index_cast %scan3A_565 : i32 to index
      %get3A_590 = arith.constant 32 : index
      %get3A_591 = tpu.vector_load %arg7[%get3A_588, %get3A_589, %get3A_590] {strides = array<i32>} : memref<3x256x128xf32, #tpu.memory_space<vmem>>, vector<1x1x16xf32>,
      %get3A_592 = vector.shape_cast %get3A_591 : vector<1x1x16xf32> to vector<16xf32>
      %add3A_593 = arith.addf %scan3A_568, %get3A_592 : vector<16xf32>
      %get3A_594 = arith.constant 0 : i32
      %get3A_595 = arith.index_cast %get3A_594 : i32 to index
      %get3A_596 = arith.index_cast %scan3A_565 : i32 to index
      %get3A_597 = arith.constant 48 : index
      %get3A_598 = tpu.vector_load %arg7[%get3A_595, %get3A_596, %get3A_597] {strides = array<i32>} : memref<3x256x128xf32, #tpu.memory_space<vmem>>, vector<1x1x16xf32>,
      %get3A_599 = vector.shape_cast %get3A_598 : vector<1x1x16xf32> to vector<16xf32>
      %add3A_600 = arith.addf %scan3A_569, %get3A_599 : vector<16xf32>
      %get3A_601 = arith.constant 0 : i32
      %get3A_602 = arith.index_cast %get3A_601 : i32 to index
      %get3A_603 = arith.index_cast %scan3A_565 : i32 to index
      %get3A_604 = arith.constant 64 : index
      %get3A_605 = tpu.vector_load %arg7[%get3A_602, %get3A_603, %get3A_604] {strides = array<i32>} : memref<3x256x128xf32, #tpu.memory_space<vmem>>, vector<1x1x16xf32>,
      %get3A_606 = vector.shape_cast %get3A_605 : vector<1x1x16xf32> to vector<16xf32>
      %add3A_607 = arith.addf %scan3A_570, %get3A_606 : vector<16xf32>
      %get3A_608 = arith.constant 0 : i32
      %get3A_609 = arith.index_cast %get3A_608 : i32 to index
      %get3A_610 = arith.index_cast %scan3A_565 : i32 to index
      %get3A_611 = arith.constant 80 : index
      %get3A_612 = tpu.vector_load %arg7[%get3A_609, %get3A_610, %get3A_611] {strides = array<i32>} : memref<3x256x128xf32, #tpu.memory_space<vmem>>, vector<1x1x16xf32>,
      %get3A_613 = vector.shape_cast %get3A_612 : vector<1x1x16xf32> to vector<16xf32>
      %add3A_614 = arith.addf %scan3A_571, %get3A_613 : vector<16xf32>
      %get3A_615 = arith.constant 0 : i32
      %get3A_616 = arith.index_cast %get3A_615 : i32 to index
      %get3A_617 = arith.index_cast %scan3A_565 : i32 to index
      %get3A_618 = arith.constant 96 : index
      %get3A_619 = tpu.vector_load %arg7[%get3A_616, %get3A_617, %get3A_618] {strides = array<i32>} : memref<3x256x128xf32, #tpu.memory_space<vmem>>, vector<1x1x16xf32>,
      %get3A_620 = vector.shape_cast %get3A_619 : vector<1x1x16xf32> to vector<16xf32>
      %add3A_621 = arith.addf %scan3A_572, %get3A_620 : vector<16xf32>
      %get3A_622 = arith.constant 0 : i32
      %get3A_623 = arith.index_cast %get3A_622 : i32 to index
      %get3A_624 = arith.index_cast %scan3A_565 : i32 to index
      %get3A_625 = arith.constant 112 : index
      %get3A_626 = tpu.vector_load %arg7[%get3A_623, %get3A_624, %get3A_625] {strides = array<i32>} : memref<3x256x128xf32, #tpu.memory_space<vmem>>, vector<1x1x16xf32>,
      %get3A_627 = vector.shape_cast %get3A_626 : vector<1x1x16xf32> to vector<16xf32>
      %add3A_628 = arith.addf %scan3A_573, %get3A_627 : vector<16xf32>
      scf.yield %add3A_579, %add3A_586, %add3A_593, %add3A_600, %add3A_607, %add3A_614, %add3A_621, %add3A_628 : vector<16xf32>, vector<16xf32>, vector<16xf32>, vector<16xf32>, vector<16xf32>, vector<16xf32>, vector<16xf32>, vector<16xf32>
    }
    %scan3A_314 = arith.constant 256 : i32
    %add3A_315 = arith.constant 24320 : i32
    %add3A_316 = arith.addi %mul3A_2, %add3A_315 : i32
    %dma_wait3A_317 = arith.constant 2 : i32
    %dma_wait3A_318 = arith.constant 0 : i32
    %dma_wait3A_319 = arith.constant 0 : i32
    %dma_wait3A_320 = tpu.memref_slice %arg7[%dma_wait3A_317, %dma_wait3A_318, %dma_wait3A_319] : memref<3x256x128xf32, #tpu.memory_space<vmem>> -> memref<1x256x128xf32, #tpu.memory_space<vmem>>
    %dma_wait3A_321 = tpu.memref_squeeze %dma_wait3A_320 : memref<1x256x128xf32, #tpu.memory_space<vmem>> -> memref<256x128xf32, #tpu.memory_space<vmem>>
    %dma_wait3A_322 = arith.constant 0 : i32
    %dma_wait3A_323 = tpu.memref_slice %arg4[%add3A_316, %dma_wait3A_322] : memref<819200x128xf32, #tpu.memory_space<hbm>> -> memref<256x128xf32, #tpu.memory_space<hbm>>
    %dma_wait3A_324 = arith.constant 0 : i32
    %dma_wait3A_325 = tpu.memref_slice %arg4[%add3A_316, %dma_wait3A_324] : memref<819200x128xf32, #tpu.memory_space<hbm>> -> memref<256x128xf32, #tpu.memory_space<hbm>>
    %dma_wait3A_326 = arith.constant 0 : i32
    %dma_wait3A_327 = arith.constant 0 : i32
    %dma_wait3A_328 = tpu.memref_slice %arg7[%dma_wait3A_317, %dma_wait3A_326, %dma_wait3A_327] : memref<3x256x128xf32, #tpu.memory_space<vmem>> -> memref<1x256x128xf32, #tpu.memory_space<vmem>>
    %dma_wait3A_329 = tpu.memref_squeeze %dma_wait3A_328 : memref<1x256x128xf32, #tpu.memory_space<vmem>> -> memref<256x128xf32, #tpu.memory_space<vmem>>
    tpu.wait_dma2 semaphore(%arg10 : memref<!tpu.dma_semaphore, #tpu.memory_space<semaphore_mem>>) src(%dma_wait3A_329 : memref<256x128xf32, #tpu.memory_space<vmem>>) dst(%dma_wait3A_325 : memref<256x128xf32, #tpu.memory_space<hbm>>)
    %dma_start3A_330 = arith.constant 2 : i32
    %dma_start3A_331 = arith.constant 0 : i32
    %dma_start3A_332 = arith.constant 0 : i32
    %dma_start3A_333 = tpu.memref_slice %arg7[%dma_start3A_330, %dma_start3A_331, %dma_start3A_332] : memref<3x256x128xf32, #tpu.memory_space<vmem>> -> memref<1x128x128xf32, #tpu.memory_space<vmem>>
    %dma_start3A_334 = tpu.memref_squeeze %dma_start3A_333 : memref<1x128x128xf32, #tpu.memory_space<vmem>> -> memref<128x128xf32, #tpu.memory_space<vmem>>
    %dma_start3A_335 = arith.constant 25088 : i32
    %dma_start3A_336 = tpu.memref_slice %arg6[%dma_start3A_335] : memref<25600xi32, #tpu.memory_space<vmem>> -> memref<128xi32, #tpu.memory_space<vmem>>
    %dma_start3A_337 = arith.constant 0 : i32
    %dma_start3A_338 = arith.constant 0 : i32
    %dma_start3A_339 = tpu.memref_slice %arg2[%dma_start3A_337, %dma_start3A_338] : memref<100000x128xf32, #tpu.memory_space<hbm>> -> memref<100000x128xf32, #tpu.memory_space<hbm>>
    tpu.enqueue_indirect_dma source(%dma_start3A_339 : memref<100000x128xf32, #tpu.memory_space<hbm>>) target(%dma_start3A_334 : memref<128x128xf32, #tpu.memory_space<vmem>>) offsets(%dma_start3A_336 : memref<128xi32, #tpu.memory_space<vmem>>) semaphore(%arg9 : memref<!tpu.dma_semaphore, #tpu.memory_space<semaphore_mem>>)
    %dma_start3A_340 = arith.constant 2 : i32
    %dma_start3A_341 = arith.constant 128 : i32
    %dma_start3A_342 = arith.constant 0 : i32
    %dma_start3A_343 = tpu.memref_slice %arg7[%dma_start3A_340, %dma_start3A_341, %dma_start3A_342] : memref<3x256x128xf32, #tpu.memory_space<vmem>> -> memref<1x128x128xf32, #tpu.memory_space<vmem>>
    %dma_start3A_344 = tpu.memref_squeeze %dma_start3A_343 : memref<1x128x128xf32, #tpu.memory_space<vmem>> -> memref<128x128xf32, #tpu.memory_space<vmem>>
    %dma_start3A_345 = arith.constant 25216 : i32
    %dma_start3A_346 = tpu.memref_slice %arg6[%dma_start3A_345] : memref<25600xi32, #tpu.memory_space<vmem>> -> memref<128xi32, #tpu.memory_space<vmem>>
    %dma_start3A_347 = arith.constant 0 : i32
    %dma_start3A_348 = arith.constant 0 : i32
    %dma_start3A_349 = tpu.memref_slice %arg2[%dma_start3A_347, %dma_start3A_348] : memref<100000x128xf32, #tpu.memory_space<hbm>> -> memref<100000x128xf32, #tpu.memory_space<hbm>>
    tpu.enqueue_indirect_dma source(%dma_start3A_349 : memref<100000x128xf32, #tpu.memory_space<hbm>>) target(%dma_start3A_344 : memref<128x128xf32, #tpu.memory_space<vmem>>) offsets(%dma_start3A_346 : memref<128xi32, #tpu.memory_space<vmem>>) semaphore(%arg9 : memref<!tpu.dma_semaphore, #tpu.memory_space<semaphore_mem>>)
    %dma_wait3A_350 = arith.constant 1 : i32
    %dma_wait3A_351 = arith.constant 0 : i32
    %dma_wait3A_352 = arith.constant 0 : i32
    %dma_wait3A_353 = tpu.memref_slice %arg7[%dma_wait3A_350, %dma_wait3A_351, %dma_wait3A_352] : memref<3x256x128xf32, #tpu.memory_space<vmem>> -> memref<1x128x128xf32, #tpu.memory_space<vmem>>
    %dma_wait3A_354 = tpu.memref_squeeze %dma_wait3A_353 : memref<1x128x128xf32, #tpu.memory_space<vmem>> -> memref<128x128xf32, #tpu.memory_space<vmem>>
    %dma_wait3A_355 = arith.constant 24832 : i32
    %dma_wait3A_356 = tpu.memref_slice %arg6[%dma_wait3A_355] : memref<25600xi32, #tpu.memory_space<vmem>> -> memref<128xi32, #tpu.memory_space<vmem>>
    %dma_wait3A_357 = arith.constant 0 : i32
    %dma_wait3A_358 = arith.constant 0 : i32
    %dma_wait3A_359 = tpu.memref_slice %arg2[%dma_wait3A_357, %dma_wait3A_358] : memref<100000x128xf32, #tpu.memory_space<hbm>> -> memref<100000x128xf32, #tpu.memory_space<hbm>>
    tpu.wait_indirect_dma semaphore(%arg9 : memref<!tpu.dma_semaphore, #tpu.memory_space<semaphore_mem>>) src(%dma_wait3A_359 : memref<100000x128xf32, #tpu.memory_space<hbm>>) dst(%dma_wait3A_354 : memref<128x128xf32, #tpu.memory_space<vmem>>)
    %dma_wait3A_360 = arith.constant 1 : i32
    %dma_wait3A_361 = arith.constant 128 : i32
    %dma_wait3A_362 = arith.constant 0 : i32
    %dma_wait3A_363 = tpu.memref_slice %arg7[%dma_wait3A_360, %dma_wait3A_361, %dma_wait3A_362] : memref<3x256x128xf32, #tpu.memory_space<vmem>> -> memref<1x128x128xf32, #tpu.memory_space<vmem>>
    %dma_wait3A_364 = tpu.memref_squeeze %dma_wait3A_363 : memref<1x128x128xf32, #tpu.memory_space<vmem>> -> memref<128x128xf32, #tpu.memory_space<vmem>>
    %dma_wait3A_365 = arith.constant 24960 : i32
    %dma_wait3A_366 = tpu.memref_slice %arg6[%dma_wait3A_365] : memref<25600xi32, #tpu.memory_space<vmem>> -> memref<128xi32, #tpu.memory_space<vmem>>
    %dma_wait3A_367 = arith.constant 0 : i32
    %dma_wait3A_368 = arith.constant 0 : i32
    %dma_wait3A_369 = tpu.memref_slice %arg2[%dma_wait3A_367, %dma_wait3A_368] : memref<100000x128xf32, #tpu.memory_space<hbm>> -> memref<100000x128xf32, #tpu.memory_space<hbm>>
    tpu.wait_indirect_dma semaphore(%arg9 : memref<!tpu.dma_semaphore, #tpu.memory_space<semaphore_mem>>) src(%dma_wait3A_369 : memref<100000x128xf32, #tpu.memory_space<hbm>>) dst(%dma_wait3A_364 : memref<128x128xf32, #tpu.memory_space<vmem>>)
    %add3A_370 = arith.constant 24832 : i32
    %add3A_371 = arith.addi %mul3A_2, %add3A_370 : i32
    %dma_start3A_372 = arith.constant 1 : i32
    %dma_start3A_373 = arith.constant 0 : i32
    %dma_start3A_374 = arith.constant 0 : i32
    %dma_start3A_375 = tpu.memref_slice %arg7[%dma_start3A_372, %dma_start3A_373, %dma_start3A_374] : memref<3x256x128xf32, #tpu.memory_space<vmem>> -> memref<1x256x128xf32, #tpu.memory_space<vmem>>
    %dma_start3A_376 = tpu.memref_squeeze %dma_start3A_375 : memref<1x256x128xf32, #tpu.memory_space<vmem>> -> memref<256x128xf32, #tpu.memory_space<vmem>>
    %dma_start3A_377 = arith.constant 0 : i32
    %dma_start3A_378 = tpu.memref_slice %arg4[%add3A_371, %dma_start3A_377] : memref<819200x128xf32, #tpu.memory_space<hbm>> -> memref<256x128xf32, #tpu.memory_space<hbm>>
    %dma_start3A_379 = arith.constant 0 : i32
    %dma_start3A_380 = tpu.memref_slice %arg4[%add3A_371, %dma_start3A_379] : memref<819200x128xf32, #tpu.memory_space<hbm>> -> memref<256x128xf32, #tpu.memory_space<hbm>>
    %dma_start3A_381 = arith.constant 0 : i32
    %dma_start3A_382 = arith.constant 0 : i32
    %dma_start3A_383 = tpu.memref_slice %arg7[%dma_start3A_372, %dma_start3A_381, %dma_start3A_382] : memref<3x256x128xf32, #tpu.memory_space<vmem>> -> memref<1x256x128xf32, #tpu.memory_space<vmem>>
    %dma_start3A_384 = tpu.memref_squeeze %dma_start3A_383 : memref<1x256x128xf32, #tpu.memory_space<vmem>> -> memref<256x128xf32, #tpu.memory_space<vmem>>
    tpu.enqueue_dma source(%dma_start3A_384 : memref<256x128xf32, #tpu.memory_space<vmem>>) target(%dma_start3A_380 : memref<256x128xf32, #tpu.memory_space<hbm>>) target_semaphore(%arg10 : memref<!tpu.dma_semaphore, #tpu.memory_space<semaphore_mem>>)
    %scan3A_385 = arith.constant 0 : i32
    %scan3A_386 = arith.constant 256 : i32
    %scan3A_387 = arith.addi %scan3A_385, %scan3A_386 : i32
    %scan3A_388 = arith.constant 1 : i32
    %scan3A_389:8 = scf.for %scan3A_565 = %scan3A_385 to %scan3A_387 step %scan3A_388 iter_args(%scan3A_566 = %scan3A_313#0, %scan3A_567 = %scan3A_313#1, %scan3A_568 = %scan3A_313#2, %scan3A_569 = %scan3A_313#3, %scan3A_570 = %scan3A_313#4, %scan3A_571 = %scan3A_313#5, %scan3A_572 = %scan3A_313#6, %scan3A_573 = %scan3A_313#7) -> (vector<16xf32>, vector<16xf32>, vector<16xf32>, vector<16xf32>, vector<16xf32>, vector<16xf32>, vector<16xf32>, vector<16xf32>)  : i32 {
      %get3A = arith.constant 1 : i32
      %get3A_574 = arith.index_cast %get3A : i32 to index
      %get3A_575 = arith.index_cast %scan3A_565 : i32 to index
      %get3A_576 = arith.constant 0 : index
      %get3A_577 = tpu.vector_load %arg7[%get3A_574, %get3A_575, %get3A_576] {strides = array<i32>} : memref<3x256x128xf32, #tpu.memory_space<vmem>>, vector<1x1x16xf32>,
      %get3A_578 = vector.shape_cast %get3A_577 : vector<1x1x16xf32> to vector<16xf32>
      %add3A_579 = arith.addf %scan3A_566, %get3A_578 : vector<16xf32>
      %get3A_580 = arith.constant 1 : i32
      %get3A_581 = arith.index_cast %get3A_580 : i32 to index
      %get3A_582 = arith.index_cast %scan3A_565 : i32 to index
      %get3A_583 = arith.constant 16 : index
      %get3A_584 = tpu.vector_load %arg7[%get3A_581, %get3A_582, %get3A_583] {strides = array<i32>} : memref<3x256x128xf32, #tpu.memory_space<vmem>>, vector<1x1x16xf32>,
      %get3A_585 = vector.shape_cast %get3A_584 : vector<1x1x16xf32> to vector<16xf32>
      %add3A_586 = arith.addf %scan3A_567, %get3A_585 : vector<16xf32>
      %get3A_587 = arith.constant 1 : i32
      %get3A_588 = arith.index_cast %get3A_587 : i32 to index
      %get3A_589 = arith.index_cast %scan3A_565 : i32 to index
      %get3A_590 = arith.constant 32 : index
      %get3A_591 = tpu.vector_load %arg7[%get3A_588, %get3A_589, %get3A_590] {strides = array<i32>} : memref<3x256x128xf32, #tpu.memory_space<vmem>>, vector<1x1x16xf32>,
      %get3A_592 = vector.shape_cast %get3A_591 : vector<1x1x16xf32> to vector<16xf32>
      %add3A_593 = arith.addf %scan3A_568, %get3A_592 : vector<16xf32>
      %get3A_594 = arith.constant 1 : i32
      %get3A_595 = arith.index_cast %get3A_594 : i32 to index
      %get3A_596 = arith.index_cast %scan3A_565 : i32 to index
      %get3A_597 = arith.constant 48 : index
      %get3A_598 = tpu.vector_load %arg7[%get3A_595, %get3A_596, %get3A_597] {strides = array<i32>} : memref<3x256x128xf32, #tpu.memory_space<vmem>>, vector<1x1x16xf32>,
      %get3A_599 = vector.shape_cast %get3A_598 : vector<1x1x16xf32> to vector<16xf32>
      %add3A_600 = arith.addf %scan3A_569, %get3A_599 : vector<16xf32>
      %get3A_601 = arith.constant 1 : i32
      %get3A_602 = arith.index_cast %get3A_601 : i32 to index
      %get3A_603 = arith.index_cast %scan3A_565 : i32 to index
      %get3A_604 = arith.constant 64 : index
      %get3A_605 = tpu.vector_load %arg7[%get3A_602, %get3A_603, %get3A_604] {strides = array<i32>} : memref<3x256x128xf32, #tpu.memory_space<vmem>>, vector<1x1x16xf32>,
      %get3A_606 = vector.shape_cast %get3A_605 : vector<1x1x16xf32> to vector<16xf32>
      %add3A_607 = arith.addf %scan3A_570, %get3A_606 : vector<16xf32>
      %get3A_608 = arith.constant 1 : i32
      %get3A_609 = arith.index_cast %get3A_608 : i32 to index
      %get3A_610 = arith.index_cast %scan3A_565 : i32 to index
      %get3A_611 = arith.constant 80 : index
      %get3A_612 = tpu.vector_load %arg7[%get3A_609, %get3A_610, %get3A_611] {strides = array<i32>} : memref<3x256x128xf32, #tpu.memory_space<vmem>>, vector<1x1x16xf32>,
      %get3A_613 = vector.shape_cast %get3A_612 : vector<1x1x16xf32> to vector<16xf32>
      %add3A_614 = arith.addf %scan3A_571, %get3A_613 : vector<16xf32>
      %get3A_615 = arith.constant 1 : i32
      %get3A_616 = arith.index_cast %get3A_615 : i32 to index
      %get3A_617 = arith.index_cast %scan3A_565 : i32 to index
      %get3A_618 = arith.constant 96 : index
      %get3A_619 = tpu.vector_load %arg7[%get3A_616, %get3A_617, %get3A_618] {strides = array<i32>} : memref<3x256x128xf32, #tpu.memory_space<vmem>>, vector<1x1x16xf32>,
      %get3A_620 = vector.shape_cast %get3A_619 : vector<1x1x16xf32> to vector<16xf32>
      %add3A_621 = arith.addf %scan3A_572, %get3A_620 : vector<16xf32>
      %get3A_622 = arith.constant 1 : i32
      %get3A_623 = arith.index_cast %get3A_622 : i32 to index
      %get3A_624 = arith.index_cast %scan3A_565 : i32 to index
      %get3A_625 = arith.constant 112 : index
      %get3A_626 = tpu.vector_load %arg7[%get3A_623, %get3A_624, %get3A_625] {strides = array<i32>} : memref<3x256x128xf32, #tpu.memory_space<vmem>>, vector<1x1x16xf32>,
      %get3A_627 = vector.shape_cast %get3A_626 : vector<1x1x16xf32> to vector<16xf32>
      %add3A_628 = arith.addf %scan3A_573, %get3A_627 : vector<16xf32>
      scf.yield %add3A_579, %add3A_586, %add3A_593, %add3A_600, %add3A_607, %add3A_614, %add3A_621, %add3A_628 : vector<16xf32>, vector<16xf32>, vector<16xf32>, vector<16xf32>, vector<16xf32>, vector<16xf32>, vector<16xf32>, vector<16xf32>
    }
    %scan3A_390 = arith.constant 256 : i32
    %add3A_391 = arith.constant 24576 : i32
    %add3A_392 = arith.addi %mul3A_2, %add3A_391 : i32
    %dma_wait3A_393 = arith.constant 0 : i32
    %dma_wait3A_394 = arith.constant 0 : i32
    %dma_wait3A_395 = arith.constant 0 : i32
    %dma_wait3A_396 = tpu.memref_slice %arg7[%dma_wait3A_393, %dma_wait3A_394, %dma_wait3A_395] : memref<3x256x128xf32, #tpu.memory_space<vmem>> -> memref<1x256x128xf32, #tpu.memory_space<vmem>>
    %dma_wait3A_397 = tpu.memref_squeeze %dma_wait3A_396 : memref<1x256x128xf32, #tpu.memory_space<vmem>> -> memref<256x128xf32, #tpu.memory_space<vmem>>
    %dma_wait3A_398 = arith.constant 0 : i32
    %dma_wait3A_399 = tpu.memref_slice %arg4[%add3A_392, %dma_wait3A_398] : memref<819200x128xf32, #tpu.memory_space<hbm>> -> memref<256x128xf32, #tpu.memory_space<hbm>>
    %dma_wait3A_400 = arith.constant 0 : i32
    %dma_wait3A_401 = tpu.memref_slice %arg4[%add3A_392, %dma_wait3A_400] : memref<819200x128xf32, #tpu.memory_space<hbm>> -> memref<256x128xf32, #tpu.memory_space<hbm>>
    %dma_wait3A_402 = arith.constant 0 : i32
    %dma_wait3A_403 = arith.constant 0 : i32
    %dma_wait3A_404 = tpu.memref_slice %arg7[%dma_wait3A_393, %dma_wait3A_402, %dma_wait3A_403] : memref<3x256x128xf32, #tpu.memory_space<vmem>> -> memref<1x256x128xf32, #tpu.memory_space<vmem>>
    %dma_wait3A_405 = tpu.memref_squeeze %dma_wait3A_404 : memref<1x256x128xf32, #tpu.memory_space<vmem>> -> memref<256x128xf32, #tpu.memory_space<vmem>>
    tpu.wait_dma2 semaphore(%arg10 : memref<!tpu.dma_semaphore, #tpu.memory_space<semaphore_mem>>) src(%dma_wait3A_405 : memref<256x128xf32, #tpu.memory_space<vmem>>) dst(%dma_wait3A_401 : memref<256x128xf32, #tpu.memory_space<hbm>>)
    %dma_start3A_406 = arith.constant 0 : i32
    %dma_start3A_407 = arith.constant 0 : i32
    %dma_start3A_408 = arith.constant 0 : i32
    %dma_start3A_409 = tpu.memref_slice %arg7[%dma_start3A_406, %dma_start3A_407, %dma_start3A_408] : memref<3x256x128xf32, #tpu.memory_space<vmem>> -> memref<1x128x128xf32, #tpu.memory_space<vmem>>
    %dma_start3A_410 = tpu.memref_squeeze %dma_start3A_409 : memref<1x128x128xf32, #tpu.memory_space<vmem>> -> memref<128x128xf32, #tpu.memory_space<vmem>>
    %dma_start3A_411 = arith.constant 25344 : i32
    %dma_start3A_412 = tpu.memref_slice %arg6[%dma_start3A_411] : memref<25600xi32, #tpu.memory_space<vmem>> -> memref<128xi32, #tpu.memory_space<vmem>>
    %dma_start3A_413 = arith.constant 0 : i32
    %dma_start3A_414 = arith.constant 0 : i32
    %dma_start3A_415 = tpu.memref_slice %arg2[%dma_start3A_413, %dma_start3A_414] : memref<100000x128xf32, #tpu.memory_space<hbm>> -> memref<100000x128xf32, #tpu.memory_space<hbm>>
    tpu.enqueue_indirect_dma source(%dma_start3A_415 : memref<100000x128xf32, #tpu.memory_space<hbm>>) target(%dma_start3A_410 : memref<128x128xf32, #tpu.memory_space<vmem>>) offsets(%dma_start3A_412 : memref<128xi32, #tpu.memory_space<vmem>>) semaphore(%arg9 : memref<!tpu.dma_semaphore, #tpu.memory_space<semaphore_mem>>)
    %dma_start3A_416 = arith.constant 0 : i32
    %dma_start3A_417 = arith.constant 128 : i32
    %dma_start3A_418 = arith.constant 0 : i32
    %dma_start3A_419 = tpu.memref_slice %arg7[%dma_start3A_416, %dma_start3A_417, %dma_start3A_418] : memref<3x256x128xf32, #tpu.memory_space<vmem>> -> memref<1x128x128xf32, #tpu.memory_space<vmem>>
    %dma_start3A_420 = tpu.memref_squeeze %dma_start3A_419 : memref<1x128x128xf32, #tpu.memory_space<vmem>> -> memref<128x128xf32, #tpu.memory_space<vmem>>
    %dma_start3A_421 = arith.constant 25472 : i32
    %dma_start3A_422 = tpu.memref_slice %arg6[%dma_start3A_421] : memref<25600xi32, #tpu.memory_space<vmem>> -> memref<128xi32, #tpu.memory_space<vmem>>
    %dma_start3A_423 = arith.constant 0 : i32
    %dma_start3A_424 = arith.constant 0 : i32
    %dma_start3A_425 = tpu.memref_slice %arg2[%dma_start3A_423, %dma_start3A_424] : memref<100000x128xf32, #tpu.memory_space<hbm>> -> memref<100000x128xf32, #tpu.memory_space<hbm>>
    tpu.enqueue_indirect_dma source(%dma_start3A_425 : memref<100000x128xf32, #tpu.memory_space<hbm>>) target(%dma_start3A_420 : memref<128x128xf32, #tpu.memory_space<vmem>>) offsets(%dma_start3A_422 : memref<128xi32, #tpu.memory_space<vmem>>) semaphore(%arg9 : memref<!tpu.dma_semaphore, #tpu.memory_space<semaphore_mem>>)
    %dma_wait3A_426 = arith.constant 2 : i32
    %dma_wait3A_427 = arith.constant 0 : i32
    %dma_wait3A_428 = arith.constant 0 : i32
    %dma_wait3A_429 = tpu.memref_slice %arg7[%dma_wait3A_426, %dma_wait3A_427, %dma_wait3A_428] : memref<3x256x128xf32, #tpu.memory_space<vmem>> -> memref<1x128x128xf32, #tpu.memory_space<vmem>>
    %dma_wait3A_430 = tpu.memref_squeeze %dma_wait3A_429 : memref<1x128x128xf32, #tpu.memory_space<vmem>> -> memref<128x128xf32, #tpu.memory_space<vmem>>
    %dma_wait3A_431 = arith.constant 25088 : i32
    %dma_wait3A_432 = tpu.memref_slice %arg6[%dma_wait3A_431] : memref<25600xi32, #tpu.memory_space<vmem>> -> memref<128xi32, #tpu.memory_space<vmem>>
    %dma_wait3A_433 = arith.constant 0 : i32
    %dma_wait3A_434 = arith.constant 0 : i32
    %dma_wait3A_435 = tpu.memref_slice %arg2[%dma_wait3A_433, %dma_wait3A_434] : memref<100000x128xf32, #tpu.memory_space<hbm>> -> memref<100000x128xf32, #tpu.memory_space<hbm>>
    tpu.wait_indirect_dma semaphore(%arg9 : memref<!tpu.dma_semaphore, #tpu.memory_space<semaphore_mem>>) src(%dma_wait3A_435 : memref<100000x128xf32, #tpu.memory_space<hbm>>) dst(%dma_wait3A_430 : memref<128x128xf32, #tpu.memory_space<vmem>>)
    %dma_wait3A_436 = arith.constant 2 : i32
    %dma_wait3A_437 = arith.constant 128 : i32
    %dma_wait3A_438 = arith.constant 0 : i32
    %dma_wait3A_439 = tpu.memref_slice %arg7[%dma_wait3A_436, %dma_wait3A_437, %dma_wait3A_438] : memref<3x256x128xf32, #tpu.memory_space<vmem>> -> memref<1x128x128xf32, #tpu.memory_space<vmem>>
    %dma_wait3A_440 = tpu.memref_squeeze %dma_wait3A_439 : memref<1x128x128xf32, #tpu.memory_space<vmem>> -> memref<128x128xf32, #tpu.memory_space<vmem>>
    %dma_wait3A_441 = arith.constant 25216 : i32
    %dma_wait3A_442 = tpu.memref_slice %arg6[%dma_wait3A_441] : memref<25600xi32, #tpu.memory_space<vmem>> -> memref<128xi32, #tpu.memory_space<vmem>>
    %dma_wait3A_443 = arith.constant 0 : i32
    %dma_wait3A_444 = arith.constant 0 : i32
    %dma_wait3A_445 = tpu.memref_slice %arg2[%dma_wait3A_443, %dma_wait3A_444] : memref<100000x128xf32, #tpu.memory_space<hbm>> -> memref<100000x128xf32, #tpu.memory_space<hbm>>
    tpu.wait_indirect_dma semaphore(%arg9 : memref<!tpu.dma_semaphore, #tpu.memory_space<semaphore_mem>>) src(%dma_wait3A_445 : memref<100000x128xf32, #tpu.memory_space<hbm>>) dst(%dma_wait3A_440 : memref<128x128xf32, #tpu.memory_space<vmem>>)
    %add3A_446 = arith.constant 25088 : i32
    %add3A_447 = arith.addi %mul3A_2, %add3A_446 : i32
    %dma_start3A_448 = arith.constant 2 : i32
    %dma_start3A_449 = arith.constant 0 : i32
    %dma_start3A_450 = arith.constant 0 : i32
    %dma_start3A_451 = tpu.memref_slice %arg7[%dma_start3A_448, %dma_start3A_449, %dma_start3A_450] : memref<3x256x128xf32, #tpu.memory_space<vmem>> -> memref<1x256x128xf32, #tpu.memory_space<vmem>>
    %dma_start3A_452 = tpu.memref_squeeze %dma_start3A_451 : memref<1x256x128xf32, #tpu.memory_space<vmem>> -> memref<256x128xf32, #tpu.memory_space<vmem>>
    %dma_start3A_453 = arith.constant 0 : i32
    %dma_start3A_454 = tpu.memref_slice %arg4[%add3A_447, %dma_start3A_453] : memref<819200x128xf32, #tpu.memory_space<hbm>> -> memref<256x128xf32, #tpu.memory_space<hbm>>
    %dma_start3A_455 = arith.constant 0 : i32
    %dma_start3A_456 = tpu.memref_slice %arg4[%add3A_447, %dma_start3A_455] : memref<819200x128xf32, #tpu.memory_space<hbm>> -> memref<256x128xf32, #tpu.memory_space<hbm>>
    %dma_start3A_457 = arith.constant 0 : i32
    %dma_start3A_458 = arith.constant 0 : i32
    %dma_start3A_459 = tpu.memref_slice %arg7[%dma_start3A_448, %dma_start3A_457, %dma_start3A_458] : memref<3x256x128xf32, #tpu.memory_space<vmem>> -> memref<1x256x128xf32, #tpu.memory_space<vmem>>
    %dma_start3A_460 = tpu.memref_squeeze %dma_start3A_459 : memref<1x256x128xf32, #tpu.memory_space<vmem>> -> memref<256x128xf32, #tpu.memory_space<vmem>>
    tpu.enqueue_dma source(%dma_start3A_460 : memref<256x128xf32, #tpu.memory_space<vmem>>) target(%dma_start3A_456 : memref<256x128xf32, #tpu.memory_space<hbm>>) target_semaphore(%arg10 : memref<!tpu.dma_semaphore, #tpu.memory_space<semaphore_mem>>)
    %scan3A_461 = arith.constant 0 : i32
    %scan3A_462 = arith.constant 256 : i32
    %scan3A_463 = arith.addi %scan3A_461, %scan3A_462 : i32
    %scan3A_464 = arith.constant 1 : i32
    %scan3A_465:8 = scf.for %scan3A_565 = %scan3A_461 to %scan3A_463 step %scan3A_464 iter_args(%scan3A_566 = %scan3A_389#0, %scan3A_567 = %scan3A_389#1, %scan3A_568 = %scan3A_389#2, %scan3A_569 = %scan3A_389#3, %scan3A_570 = %scan3A_389#4, %scan3A_571 = %scan3A_389#5, %scan3A_572 = %scan3A_389#6, %scan3A_573 = %scan3A_389#7) -> (vector<16xf32>, vector<16xf32>, vector<16xf32>, vector<16xf32>, vector<16xf32>, vector<16xf32>, vector<16xf32>, vector<16xf32>)  : i32 {
      %get3A = arith.constant 2 : i32
      %get3A_574 = arith.index_cast %get3A : i32 to index
      %get3A_575 = arith.index_cast %scan3A_565 : i32 to index
      %get3A_576 = arith.constant 0 : index
      %get3A_577 = tpu.vector_load %arg7[%get3A_574, %get3A_575, %get3A_576] {strides = array<i32>} : memref<3x256x128xf32, #tpu.memory_space<vmem>>, vector<1x1x16xf32>,
      %get3A_578 = vector.shape_cast %get3A_577 : vector<1x1x16xf32> to vector<16xf32>
      %add3A_579 = arith.addf %scan3A_566, %get3A_578 : vector<16xf32>
      %get3A_580 = arith.constant 2 : i32
      %get3A_581 = arith.index_cast %get3A_580 : i32 to index
      %get3A_582 = arith.index_cast %scan3A_565 : i32 to index
      %get3A_583 = arith.constant 16 : index
      %get3A_584 = tpu.vector_load %arg7[%get3A_581, %get3A_582, %get3A_583] {strides = array<i32>} : memref<3x256x128xf32, #tpu.memory_space<vmem>>, vector<1x1x16xf32>,
      %get3A_585 = vector.shape_cast %get3A_584 : vector<1x1x16xf32> to vector<16xf32>
      %add3A_586 = arith.addf %scan3A_567, %get3A_585 : vector<16xf32>
      %get3A_587 = arith.constant 2 : i32
      %get3A_588 = arith.index_cast %get3A_587 : i32 to index
      %get3A_589 = arith.index_cast %scan3A_565 : i32 to index
      %get3A_590 = arith.constant 32 : index
      %get3A_591 = tpu.vector_load %arg7[%get3A_588, %get3A_589, %get3A_590] {strides = array<i32>} : memref<3x256x128xf32, #tpu.memory_space<vmem>>, vector<1x1x16xf32>,
      %get3A_592 = vector.shape_cast %get3A_591 : vector<1x1x16xf32> to vector<16xf32>
      %add3A_593 = arith.addf %scan3A_568, %get3A_592 : vector<16xf32>
      %get3A_594 = arith.constant 2 : i32
      %get3A_595 = arith.index_cast %get3A_594 : i32 to index
      %get3A_596 = arith.index_cast %scan3A_565 : i32 to index
      %get3A_597 = arith.constant 48 : index
      %get3A_598 = tpu.vector_load %arg7[%get3A_595, %get3A_596, %get3A_597] {strides = array<i32>} : memref<3x256x128xf32, #tpu.memory_space<vmem>>, vector<1x1x16xf32>,
      %get3A_599 = vector.shape_cast %get3A_598 : vector<1x1x16xf32> to vector<16xf32>
      %add3A_600 = arith.addf %scan3A_569, %get3A_599 : vector<16xf32>
      %get3A_601 = arith.constant 2 : i32
      %get3A_602 = arith.index_cast %get3A_601 : i32 to index
      %get3A_603 = arith.index_cast %scan3A_565 : i32 to index
      %get3A_604 = arith.constant 64 : index
      %get3A_605 = tpu.vector_load %arg7[%get3A_602, %get3A_603, %get3A_604] {strides = array<i32>} : memref<3x256x128xf32, #tpu.memory_space<vmem>>, vector<1x1x16xf32>,
      %get3A_606 = vector.shape_cast %get3A_605 : vector<1x1x16xf32> to vector<16xf32>
      %add3A_607 = arith.addf %scan3A_570, %get3A_606 : vector<16xf32>
      %get3A_608 = arith.constant 2 : i32
      %get3A_609 = arith.index_cast %get3A_608 : i32 to index
      %get3A_610 = arith.index_cast %scan3A_565 : i32 to index
      %get3A_611 = arith.constant 80 : index
      %get3A_612 = tpu.vector_load %arg7[%get3A_609, %get3A_610, %get3A_611] {strides = array<i32>} : memref<3x256x128xf32, #tpu.memory_space<vmem>>, vector<1x1x16xf32>,
      %get3A_613 = vector.shape_cast %get3A_612 : vector<1x1x16xf32> to vector<16xf32>
      %add3A_614 = arith.addf %scan3A_571, %get3A_613 : vector<16xf32>
      %get3A_615 = arith.constant 2 : i32
      %get3A_616 = arith.index_cast %get3A_615 : i32 to index
      %get3A_617 = arith.index_cast %scan3A_565 : i32 to index
      %get3A_618 = arith.constant 96 : index
      %get3A_619 = tpu.vector_load %arg7[%get3A_616, %get3A_617, %get3A_618] {strides = array<i32>} : memref<3x256x128xf32, #tpu.memory_space<vmem>>, vector<1x1x16xf32>,
      %get3A_620 = vector.shape_cast %get3A_619 : vector<1x1x16xf32> to vector<16xf32>
      %add3A_621 = arith.addf %scan3A_572, %get3A_620 : vector<16xf32>
      %get3A_622 = arith.constant 2 : i32
      %get3A_623 = arith.index_cast %get3A_622 : i32 to index
      %get3A_624 = arith.index_cast %scan3A_565 : i32 to index
      %get3A_625 = arith.constant 112 : index
      %get3A_626 = tpu.vector_load %arg7[%get3A_623, %get3A_624, %get3A_625] {strides = array<i32>} : memref<3x256x128xf32, #tpu.memory_space<vmem>>, vector<1x1x16xf32>,
      %get3A_627 = vector.shape_cast %get3A_626 : vector<1x1x16xf32> to vector<16xf32>
      %add3A_628 = arith.addf %scan3A_573, %get3A_627 : vector<16xf32>
      scf.yield %add3A_579, %add3A_586, %add3A_593, %add3A_600, %add3A_607, %add3A_614, %add3A_621, %add3A_628 : vector<16xf32>, vector<16xf32>, vector<16xf32>, vector<16xf32>, vector<16xf32>, vector<16xf32>, vector<16xf32>, vector<16xf32>
    }
    %scan3A_466 = arith.constant 256 : i32
    %add3A_467 = arith.constant 24832 : i32
    %add3A_468 = arith.addi %mul3A_2, %add3A_467 : i32
    %dma_wait3A_469 = arith.constant 1 : i32
    %dma_wait3A_470 = arith.constant 0 : i32
    %dma_wait3A_471 = arith.constant 0 : i32
    %dma_wait3A_472 = tpu.memref_slice %arg7[%dma_wait3A_469, %dma_wait3A_470, %dma_wait3A_471] : memref<3x256x128xf32, #tpu.memory_space<vmem>> -> memref<1x256x128xf32, #tpu.memory_space<vmem>>
    %dma_wait3A_473 = tpu.memref_squeeze %dma_wait3A_472 : memref<1x256x128xf32, #tpu.memory_space<vmem>> -> memref<256x128xf32, #tpu.memory_space<vmem>>
    %dma_wait3A_474 = arith.constant 0 : i32
    %dma_wait3A_475 = tpu.memref_slice %arg4[%add3A_468, %dma_wait3A_474] : memref<819200x128xf32, #tpu.memory_space<hbm>> -> memref<256x128xf32, #tpu.memory_space<hbm>>
    %dma_wait3A_476 = arith.constant 0 : i32
    %dma_wait3A_477 = tpu.memref_slice %arg4[%add3A_468, %dma_wait3A_476] : memref<819200x128xf32, #tpu.memory_space<hbm>> -> memref<256x128xf32, #tpu.memory_space<hbm>>
    %dma_wait3A_478 = arith.constant 0 : i32
    %dma_wait3A_479 = arith.constant 0 : i32
    %dma_wait3A_480 = tpu.memref_slice %arg7[%dma_wait3A_469, %dma_wait3A_478, %dma_wait3A_479] : memref<3x256x128xf32, #tpu.memory_space<vmem>> -> memref<1x256x128xf32, #tpu.memory_space<vmem>>
    %dma_wait3A_481 = tpu.memref_squeeze %dma_wait3A_480 : memref<1x256x128xf32, #tpu.memory_space<vmem>> -> memref<256x128xf32, #tpu.memory_space<vmem>>
    tpu.wait_dma2 semaphore(%arg10 : memref<!tpu.dma_semaphore, #tpu.memory_space<semaphore_mem>>) src(%dma_wait3A_481 : memref<256x128xf32, #tpu.memory_space<vmem>>) dst(%dma_wait3A_477 : memref<256x128xf32, #tpu.memory_space<hbm>>)
    %dma_wait3A_482 = arith.constant 0 : i32
    %dma_wait3A_483 = arith.constant 0 : i32
    %dma_wait3A_484 = arith.constant 0 : i32
    %dma_wait3A_485 = tpu.memref_slice %arg7[%dma_wait3A_482, %dma_wait3A_483, %dma_wait3A_484] : memref<3x256x128xf32, #tpu.memory_space<vmem>> -> memref<1x128x128xf32, #tpu.memory_space<vmem>>
    %dma_wait3A_486 = tpu.memref_squeeze %dma_wait3A_485 : memref<1x128x128xf32, #tpu.memory_space<vmem>> -> memref<128x128xf32, #tpu.memory_space<vmem>>
    %dma_wait3A_487 = arith.constant 25344 : i32
    %dma_wait3A_488 = tpu.memref_slice %arg6[%dma_wait3A_487] : memref<25600xi32, #tpu.memory_space<vmem>> -> memref<128xi32, #tpu.memory_space<vmem>>
    %dma_wait3A_489 = arith.constant 0 : i32
    %dma_wait3A_490 = arith.constant 0 : i32
    %dma_wait3A_491 = tpu.memref_slice %arg2[%dma_wait3A_489, %dma_wait3A_490] : memref<100000x128xf32, #tpu.memory_space<hbm>> -> memref<100000x128xf32, #tpu.memory_space<hbm>>
    tpu.wait_indirect_dma semaphore(%arg9 : memref<!tpu.dma_semaphore, #tpu.memory_space<semaphore_mem>>) src(%dma_wait3A_491 : memref<100000x128xf32, #tpu.memory_space<hbm>>) dst(%dma_wait3A_486 : memref<128x128xf32, #tpu.memory_space<vmem>>)
    %dma_wait3A_492 = arith.constant 0 : i32
    %dma_wait3A_493 = arith.constant 128 : i32
    %dma_wait3A_494 = arith.constant 0 : i32
    %dma_wait3A_495 = tpu.memref_slice %arg7[%dma_wait3A_492, %dma_wait3A_493, %dma_wait3A_494] : memref<3x256x128xf32, #tpu.memory_space<vmem>> -> memref<1x128x128xf32, #tpu.memory_space<vmem>>
    %dma_wait3A_496 = tpu.memref_squeeze %dma_wait3A_495 : memref<1x128x128xf32, #tpu.memory_space<vmem>> -> memref<128x128xf32, #tpu.memory_space<vmem>>
    %dma_wait3A_497 = arith.constant 25472 : i32
    %dma_wait3A_498 = tpu.memref_slice %arg6[%dma_wait3A_497] : memref<25600xi32, #tpu.memory_space<vmem>> -> memref<128xi32, #tpu.memory_space<vmem>>
    %dma_wait3A_499 = arith.constant 0 : i32
    %dma_wait3A_500 = arith.constant 0 : i32
    %dma_wait3A_501 = tpu.memref_slice %arg2[%dma_wait3A_499, %dma_wait3A_500] : memref<100000x128xf32, #tpu.memory_space<hbm>> -> memref<100000x128xf32, #tpu.memory_space<hbm>>
    tpu.wait_indirect_dma semaphore(%arg9 : memref<!tpu.dma_semaphore, #tpu.memory_space<semaphore_mem>>) src(%dma_wait3A_501 : memref<100000x128xf32, #tpu.memory_space<hbm>>) dst(%dma_wait3A_496 : memref<128x128xf32, #tpu.memory_space<vmem>>)
    %add3A_502 = arith.constant 25344 : i32
    %add3A_503 = arith.addi %mul3A_2, %add3A_502 : i32
    %dma_start3A_504 = arith.constant 0 : i32
    %dma_start3A_505 = arith.constant 0 : i32
    %dma_start3A_506 = arith.constant 0 : i32
    %dma_start3A_507 = tpu.memref_slice %arg7[%dma_start3A_504, %dma_start3A_505, %dma_start3A_506] : memref<3x256x128xf32, #tpu.memory_space<vmem>> -> memref<1x256x128xf32, #tpu.memory_space<vmem>>
    %dma_start3A_508 = tpu.memref_squeeze %dma_start3A_507 : memref<1x256x128xf32, #tpu.memory_space<vmem>> -> memref<256x128xf32, #tpu.memory_space<vmem>>
    %dma_start3A_509 = arith.constant 0 : i32
    %dma_start3A_510 = tpu.memref_slice %arg4[%add3A_503, %dma_start3A_509] : memref<819200x128xf32, #tpu.memory_space<hbm>> -> memref<256x128xf32, #tpu.memory_space<hbm>>
    %dma_start3A_511 = arith.constant 0 : i32
    %dma_start3A_512 = tpu.memref_slice %arg4[%add3A_503, %dma_start3A_511] : memref<819200x128xf32, #tpu.memory_space<hbm>> -> memref<256x128xf32, #tpu.memory_space<hbm>>
    %dma_start3A_513 = arith.constant 0 : i32
    %dma_start3A_514 = arith.constant 0 : i32
    %dma_start3A_515 = tpu.memref_slice %arg7[%dma_start3A_504, %dma_start3A_513, %dma_start3A_514] : memref<3x256x128xf32, #tpu.memory_space<vmem>> -> memref<1x256x128xf32, #tpu.memory_space<vmem>>
    %dma_start3A_516 = tpu.memref_squeeze %dma_start3A_515 : memref<1x256x128xf32, #tpu.memory_space<vmem>> -> memref<256x128xf32, #tpu.memory_space<vmem>>
    tpu.enqueue_dma source(%dma_start3A_516 : memref<256x128xf32, #tpu.memory_space<vmem>>) target(%dma_start3A_512 : memref<256x128xf32, #tpu.memory_space<hbm>>) target_semaphore(%arg10 : memref<!tpu.dma_semaphore, #tpu.memory_space<semaphore_mem>>)
    %scan3A_517 = arith.constant 0 : i32
    %scan3A_518 = arith.constant 256 : i32
    %scan3A_519 = arith.addi %scan3A_517, %scan3A_518 : i32
    %scan3A_520 = arith.constant 1 : i32
    %scan3A_521:8 = scf.for %scan3A_565 = %scan3A_517 to %scan3A_519 step %scan3A_520 iter_args(%scan3A_566 = %scan3A_465#0, %scan3A_567 = %scan3A_465#1, %scan3A_568 = %scan3A_465#2, %scan3A_569 = %scan3A_465#3, %scan3A_570 = %scan3A_465#4, %scan3A_571 = %scan3A_465#5, %scan3A_572 = %scan3A_465#6, %scan3A_573 = %scan3A_465#7) -> (vector<16xf32>, vector<16xf32>, vector<16xf32>, vector<16xf32>, vector<16xf32>, vector<16xf32>, vector<16xf32>, vector<16xf32>)  : i32 {
      %get3A = arith.constant 0 : i32
      %get3A_574 = arith.index_cast %get3A : i32 to index
      %get3A_575 = arith.index_cast %scan3A_565 : i32 to index
      %get3A_576 = arith.constant 0 : index
      %get3A_577 = tpu.vector_load %arg7[%get3A_574, %get3A_575, %get3A_576] {strides = array<i32>} : memref<3x256x128xf32, #tpu.memory_space<vmem>>, vector<1x1x16xf32>,
      %get3A_578 = vector.shape_cast %get3A_577 : vector<1x1x16xf32> to vector<16xf32>
      %add3A_579 = arith.addf %scan3A_566, %get3A_578 : vector<16xf32>
      %get3A_580 = arith.constant 0 : i32
      %get3A_581 = arith.index_cast %get3A_580 : i32 to index
      %get3A_582 = arith.index_cast %scan3A_565 : i32 to index
      %get3A_583 = arith.constant 16 : index
      %get3A_584 = tpu.vector_load %arg7[%get3A_581, %get3A_582, %get3A_583] {strides = array<i32>} : memref<3x256x128xf32, #tpu.memory_space<vmem>>, vector<1x1x16xf32>,
      %get3A_585 = vector.shape_cast %get3A_584 : vector<1x1x16xf32> to vector<16xf32>
      %add3A_586 = arith.addf %scan3A_567, %get3A_585 : vector<16xf32>
      %get3A_587 = arith.constant 0 : i32
      %get3A_588 = arith.index_cast %get3A_587 : i32 to index
      %get3A_589 = arith.index_cast %scan3A_565 : i32 to index
      %get3A_590 = arith.constant 32 : index
      %get3A_591 = tpu.vector_load %arg7[%get3A_588, %get3A_589, %get3A_590] {strides = array<i32>} : memref<3x256x128xf32, #tpu.memory_space<vmem>>, vector<1x1x16xf32>,
      %get3A_592 = vector.shape_cast %get3A_591 : vector<1x1x16xf32> to vector<16xf32>
      %add3A_593 = arith.addf %scan3A_568, %get3A_592 : vector<16xf32>
      %get3A_594 = arith.constant 0 : i32
      %get3A_595 = arith.index_cast %get3A_594 : i32 to index
      %get3A_596 = arith.index_cast %scan3A_565 : i32 to index
      %get3A_597 = arith.constant 48 : index
      %get3A_598 = tpu.vector_load %arg7[%get3A_595, %get3A_596, %get3A_597] {strides = array<i32>} : memref<3x256x128xf32, #tpu.memory_space<vmem>>, vector<1x1x16xf32>,
      %get3A_599 = vector.shape_cast %get3A_598 : vector<1x1x16xf32> to vector<16xf32>
      %add3A_600 = arith.addf %scan3A_569, %get3A_599 : vector<16xf32>
      %get3A_601 = arith.constant 0 : i32
      %get3A_602 = arith.index_cast %get3A_601 : i32 to index
      %get3A_603 = arith.index_cast %scan3A_565 : i32 to index
      %get3A_604 = arith.constant 64 : index
      %get3A_605 = tpu.vector_load %arg7[%get3A_602, %get3A_603, %get3A_604] {strides = array<i32>} : memref<3x256x128xf32, #tpu.memory_space<vmem>>, vector<1x1x16xf32>,
      %get3A_606 = vector.shape_cast %get3A_605 : vector<1x1x16xf32> to vector<16xf32>
      %add3A_607 = arith.addf %scan3A_570, %get3A_606 : vector<16xf32>
      %get3A_608 = arith.constant 0 : i32
      %get3A_609 = arith.index_cast %get3A_608 : i32 to index
      %get3A_610 = arith.index_cast %scan3A_565 : i32 to index
      %get3A_611 = arith.constant 80 : index
      %get3A_612 = tpu.vector_load %arg7[%get3A_609, %get3A_610, %get3A_611] {strides = array<i32>} : memref<3x256x128xf32, #tpu.memory_space<vmem>>, vector<1x1x16xf32>,
      %get3A_613 = vector.shape_cast %get3A_612 : vector<1x1x16xf32> to vector<16xf32>
      %add3A_614 = arith.addf %scan3A_571, %get3A_613 : vector<16xf32>
      %get3A_615 = arith.constant 0 : i32
      %get3A_616 = arith.index_cast %get3A_615 : i32 to index
      %get3A_617 = arith.index_cast %scan3A_565 : i32 to index
      %get3A_618 = arith.constant 96 : index
      %get3A_619 = tpu.vector_load %arg7[%get3A_616, %get3A_617, %get3A_618] {strides = array<i32>} : memref<3x256x128xf32, #tpu.memory_space<vmem>>, vector<1x1x16xf32>,
      %get3A_620 = vector.shape_cast %get3A_619 : vector<1x1x16xf32> to vector<16xf32>
      %add3A_621 = arith.addf %scan3A_572, %get3A_620 : vector<16xf32>
      %get3A_622 = arith.constant 0 : i32
      %get3A_623 = arith.index_cast %get3A_622 : i32 to index
      %get3A_624 = arith.index_cast %scan3A_565 : i32 to index
      %get3A_625 = arith.constant 112 : index
      %get3A_626 = tpu.vector_load %arg7[%get3A_623, %get3A_624, %get3A_625] {strides = array<i32>} : memref<3x256x128xf32, #tpu.memory_space<vmem>>, vector<1x1x16xf32>,
      %get3A_627 = vector.shape_cast %get3A_626 : vector<1x1x16xf32> to vector<16xf32>
      %add3A_628 = arith.addf %scan3A_573, %get3A_627 : vector<16xf32>
      scf.yield %add3A_579, %add3A_586, %add3A_593, %add3A_600, %add3A_607, %add3A_614, %add3A_621, %add3A_628 : vector<16xf32>, vector<16xf32>, vector<16xf32>, vector<16xf32>, vector<16xf32>, vector<16xf32>, vector<16xf32>, vector<16xf32>
    }
    %scan3A_522 = arith.constant 256 : i32
    %add3A_523 = arith.constant 25088 : i32
    %add3A_524 = arith.addi %mul3A_2, %add3A_523 : i32
    %dma_wait3A_525 = arith.constant 2 : i32
    %dma_wait3A_526 = arith.constant 0 : i32
    %dma_wait3A_527 = arith.constant 0 : i32
    %dma_wait3A_528 = tpu.memref_slice %arg7[%dma_wait3A_525, %dma_wait3A_526, %dma_wait3A_527] : memref<3x256x128xf32, #tpu.memory_space<vmem>> -> memref<1x256x128xf32, #tpu.memory_space<vmem>>
    %dma_wait3A_529 = tpu.memref_squeeze %dma_wait3A_528 : memref<1x256x128xf32, #tpu.memory_space<vmem>> -> memref<256x128xf32, #tpu.memory_space<vmem>>
    %dma_wait3A_530 = arith.constant 0 : i32
    %dma_wait3A_531 = tpu.memref_slice %arg4[%add3A_524, %dma_wait3A_530] : memref<819200x128xf32, #tpu.memory_space<hbm>> -> memref<256x128xf32, #tpu.memory_space<hbm>>
    %dma_wait3A_532 = arith.constant 0 : i32
    %dma_wait3A_533 = tpu.memref_slice %arg4[%add3A_524, %dma_wait3A_532] : memref<819200x128xf32, #tpu.memory_space<hbm>> -> memref<256x128xf32, #tpu.memory_space<hbm>>
    %dma_wait3A_534 = arith.constant 0 : i32
    %dma_wait3A_535 = arith.constant 0 : i32
    %dma_wait3A_536 = tpu.memref_slice %arg7[%dma_wait3A_525, %dma_wait3A_534, %dma_wait3A_535] : memref<3x256x128xf32, #tpu.memory_space<vmem>> -> memref<1x256x128xf32, #tpu.memory_space<vmem>>
    %dma_wait3A_537 = tpu.memref_squeeze %dma_wait3A_536 : memref<1x256x128xf32, #tpu.memory_space<vmem>> -> memref<256x128xf32, #tpu.memory_space<vmem>>
    tpu.wait_dma2 semaphore(%arg10 : memref<!tpu.dma_semaphore, #tpu.memory_space<semaphore_mem>>) src(%dma_wait3A_537 : memref<256x128xf32, #tpu.memory_space<vmem>>) dst(%dma_wait3A_533 : memref<256x128xf32, #tpu.memory_space<hbm>>)
    %add3A_538 = arith.constant 25344 : i32
    %add3A_539 = arith.addi %mul3A_2, %add3A_538 : i32
    %dma_wait3A_540 = arith.constant 0 : i32
    %dma_wait3A_541 = arith.constant 0 : i32
    %dma_wait3A_542 = arith.constant 0 : i32
    %dma_wait3A_543 = tpu.memref_slice %arg7[%dma_wait3A_540, %dma_wait3A_541, %dma_wait3A_542] : memref<3x256x128xf32, #tpu.memory_space<vmem>> -> memref<1x256x128xf32, #tpu.memory_space<vmem>>
    %dma_wait3A_544 = tpu.memref_squeeze %dma_wait3A_543 : memref<1x256x128xf32, #tpu.memory_space<vmem>> -> memref<256x128xf32, #tpu.memory_space<vmem>>
    %dma_wait3A_545 = arith.constant 0 : i32
    %dma_wait3A_546 = tpu.memref_slice %arg4[%add3A_539, %dma_wait3A_545] : memref<819200x128xf32, #tpu.memory_space<hbm>> -> memref<256x128xf32, #tpu.memory_space<hbm>>
    %dma_wait3A_547 = arith.constant 0 : i32
    %dma_wait3A_548 = tpu.memref_slice %arg4[%add3A_539, %dma_wait3A_547] : memref<819200x128xf32, #tpu.memory_space<hbm>> -> memref<256x128xf32, #tpu.memory_space<hbm>>
    %dma_wait3A_549 = arith.constant 0 : i32
    %dma_wait3A_550 = arith.constant 0 : i32
    %dma_wait3A_551 = tpu.memref_slice %arg7[%dma_wait3A_540, %dma_wait3A_549, %dma_wait3A_550] : memref<3x256x128xf32, #tpu.memory_space<vmem>> -> memref<1x256x128xf32, #tpu.memory_space<vmem>>
    %dma_wait3A_552 = tpu.memref_squeeze %dma_wait3A_551 : memref<1x256x128xf32, #tpu.memory_space<vmem>> -> memref<256x128xf32, #tpu.memory_space<vmem>>
    tpu.wait_dma2 semaphore(%arg10 : memref<!tpu.dma_semaphore, #tpu.memory_space<semaphore_mem>>) src(%dma_wait3A_552 : memref<256x128xf32, #tpu.memory_space<vmem>>) dst(%dma_wait3A_548 : memref<256x128xf32, #tpu.memory_space<hbm>>)
    %add3A_553 = arith.addf %scan3A_521#0, %scan3A_521#1 : vector<16xf32>
    %add3A_554 = arith.addf %add3A_553, %scan3A_521#2 : vector<16xf32>
    %add3A_555 = arith.addf %add3A_554, %scan3A_521#3 : vector<16xf32>
    %add3A_556 = arith.addf %add3A_555, %scan3A_521#4 : vector<16xf32>
    %add3A_557 = arith.addf %add3A_556, %scan3A_521#5 : vector<16xf32>
    %add3A_558 = arith.addf %add3A_557, %scan3A_521#6 : vector<16xf32>
    %add3A_559 = arith.addf %add3A_558, %scan3A_521#7 : vector<16xf32>
    %swap3A = arith.constant 0 : index
    %swap3A_560 = tpu.vector_load %arg8[%swap3A] {strides = array<i32>} : memref<16xf32, #tpu.memory_space<vmem>>, vector<16xf32>,
    %swap3A_561 = vector.shape_cast %swap3A_560 : vector<16xf32> to vector<16xf32>
    %swap3A_562 = vector.shape_cast %add3A_559 : vector<16xf32> to vector<16xf32>
    tpu.vector_store %arg8[%swap3A], %swap3A_562 {strides = array<i32>} : memref<16xf32, #tpu.memory_space<vmem>>, vector<16xf32>,
    %mul3A_563 = arith.constant 16 : i32
    %mul3A_564 = arith.muli %add3A, %mul3A_563 : i32
    "tpu.region"() ({
      %run_scoped3A = tpu.sem_alloc : memref<!tpu.dma_semaphore, #tpu.memory_space<semaphore_mem>>
      %dma_start3A_565 = tpu.memref_slice %arg5[%mul3A_564] : memref<512xf32, #tpu.memory_space<hbm>> -> memref<16xf32, #tpu.memory_space<hbm>>
      %dma_start3A_566 = tpu.memref_slice %arg5[%mul3A_564] : memref<512xf32, #tpu.memory_space<hbm>> -> memref<16xf32, #tpu.memory_space<hbm>>
      tpu.enqueue_dma source(%arg8 : memref<16xf32, #tpu.memory_space<vmem>>) target(%dma_start3A_566 : memref<16xf32, #tpu.memory_space<hbm>>) target_semaphore(%run_scoped3A : memref<!tpu.dma_semaphore, #tpu.memory_space<semaphore_mem>>)
      %dma_wait3A_567 = tpu.memref_slice %arg5[%mul3A_564] : memref<512xf32, #tpu.memory_space<hbm>> -> memref<16xf32, #tpu.memory_space<hbm>>
      %dma_wait3A_568 = tpu.memref_slice %arg5[%mul3A_564] : memref<512xf32, #tpu.memory_space<hbm>> -> memref<16xf32, #tpu.memory_space<hbm>>
      tpu.wait_dma2 semaphore(%run_scoped3A : memref<!tpu.dma_semaphore, #tpu.memory_space<semaphore_mem>>) src(%arg8 : memref<16xf32, #tpu.memory_space<vmem>>) dst(%dma_wait3A_568 : memref<16xf32, #tpu.memory_space<hbm>>)
      tpu.yield
    }) : () -> ()
    return
  }
}

module attributes {stable_mosaic.version = 14 : i64} {
  func.func @_transform_body(%arg0: i32, %arg1: memref<16384x128xf32, #tpu.memory_space<vmem>>, %arg2: memref<128x128xf32, #tpu.memory_space<vmem>>, %arg3: memref<16384x128xf32, #tpu.memory_space<vmem>>) attributes {dimension_semantics = [#tpu.dimension_semantics<arbitrary>], iteration_bounds = array<i64: 7>, scalar_prefetch = 0 : i64, scratch_operands = 0 : i64, tpu.core_type = #tpu.core_type<tc>, window_params = [{transform_indices = @transform_0, window_bounds = array<i64: 16384, 128>}, {pipeline_mode = #tpu.pipeline_mode<synchronous>, transform_indices = @transform_1, window_bounds = array<i64: 128, 128>}, {transform_indices = @transform_2, window_bounds = array<i64: 16384, 128>}]} {
    %get3A = arith.constant 0 : index
    %get3A_0 = arith.constant 0 : index
    %get3A_1 = vector.load %arg1[%get3A, %get3A_0] : memref<16384x128xf32, #tpu.memory_space<vmem>>, vector<16384x128xf32>
    %get3A_2 = arith.constant 0 : index
    %get3A_3 = arith.constant 0 : index
    %get3A_4 = vector.load %arg2[%get3A_2, %get3A_3] : memref<128x128xf32, #tpu.memory_space<vmem>>, vector<128x128xf32>
    %dot_general3A = arith.constant dense<0.000000e+00> : vector<16384x128xf32>
    %dot_general3A_5 = tpu.matmul %get3A_1, %get3A_4, %dot_general3A {dimension_numbers = #tpu.dot_dimension_numbers<[1], [1], [0], [0], [0, 0, 1, 0], [], []>, transpose_lhs_hint = false} : vector<16384x128xf32>, vector<128x128xf32>, vector<16384x128xf32> -> vector<16384x128xf32>
    %swap3A = arith.constant 0 : index
    %swap3A_6 = arith.constant 0 : index
    %swap3A_7 = vector.load %arg3[%swap3A, %swap3A_6] : memref<16384x128xf32, #tpu.memory_space<vmem>>, vector<16384x128xf32>
    tpu.vector_store %arg3[%swap3A, %swap3A_6], %dot_general3A_5 {strides = array<i32>} : memref<16384x128xf32, #tpu.memory_space<vmem>>, vector<16384x128xf32>,
    return
  }
  func.func @transform_0(%arg0: i32) -> (i32, i32) {
    %c0_i32 = arith.constant 0 : i32
    %c0_i32_0 = arith.constant 0 : i32
    return %arg0, %c0_i32 : i32, i32
  }
  func.func @transform_1(%arg0: i32) -> (i32, i32) {
    %c0_i32 = arith.constant 0 : i32
    %c0_i32_0 = arith.constant 0 : i32
    %c0_i32_1 = arith.constant 0 : i32
    return %c0_i32, %c0_i32_0 : i32, i32
  }
  func.func @transform_2(%arg0: i32) -> (i32, i32) {
    %c0_i32 = arith.constant 0 : i32
    %c0_i32_0 = arith.constant 0 : i32
    return %arg0, %c0_i32 : i32, i32
  }
}

</mosaic_0001>

<sc_bundles>
// kernel: kernel.4.cloned.1.call-start
scs
__scs_entry_jumppad:
0x0: {  	(pc) =	sbr.rel $0x88, $3  }
0x1: {  	(tag) =	ssettag $0x0;
	lr =	simm.s32 $0x1  }
0x2: {  	[smem:$0x3F9E] =	sst lr;
	_ =	strace $0xD0000000  }
0x3: {  	_ = 	snop  }
0x4: {  	_ = 	snop  }
0x5: {  	_ = 	snop  }
0x6: {  	_ = 	snop  }
0x7: {  	_ = 	snop  }
__scs_overlays_trampoline_lowered:
0x8: {  	[smem:$0x3FAD] =	sst s0  }
0x9: {  	[smem:$0x3FAE] =	sst s1  }
0xa: {  	[smem:$0x3FAF] =	sst s2  }
0xb: {  	[smem:$0x3FB0] =	sst s3  }
0xc: {  	[smem:$0x3FB1] =	sst s4  }
0xd: {  	[smem:$0x3FB2] =	sst s5  }
0xe: {  	[smem:$0x3FB3] =	sst s6  }
0xf: {  	[smem:$0x3FB4] =	sst s7  }
0x10: {  	[smem:$0x3FB5] =	sst s8  }
0x11: {  	[smem:$0x3FB6] =	sst s9;
	s0 =	simm.s32 @!p0 $0x0  }
0x12: {  	s1 =	sld [smem:$0x3F9C];
	s0 =	simm.s32 @p0 $0x1  }
0x13: {  	[smem:$0x3FB7] =	sst s0;
	s0 =	simm.s32 @!p1 $0x0  }
0x14: {  	s2 =	sld [smem:$0x3F9B];
	s0 =	simm.s32 @p1 $0x1  }
0x15: {  	[smem:$0x3FB8] =	sst s0;
	s0 =	simm.s32 @!p2 $0x0  }
0x16: {  	s3 =	sld [smem:$0x3FDB];
	s0 =	simm.s32 @p2 $0x1  }
0x17: {  	s4 =	simm.s32 $0x1BF5;
	[smem:$0x3FBA] =	sst s0  }
0x18: {  	s0 =	sld [smem:$0x3F9D];
	_ =	swait.ge [sflag:s4], $0x0  }
0x19: {  	s7 =	sld [smem:$0x3F9E]  }
0x1a: {  	s8 =	sadd.s32 $0xFFFFE003, lr  }
0x1b: {  	s9 =	sadd.s32 $0xFFFFFEF7, lr;
	s5 =	simm.s32 $0xFFFFFFFF;
	p2 =	slt.u32 s8, $0xFFFFF086  }
0x1c: {  	p1 =	slt.u32 s9, $0xF7A;
	s5 =	simm.s32 @!p2 $0x0  }
0x1d: {  	s5 =	simm.s32 @p1 $0x1;
	p0 =	seq.s32 s7, s2  }
0x1e: {  	s7 =	smul.u32 @!p0 $0xF7A, s2;
	p2 =	seq.s32 @!p0 s5, $0x0  }
0x1f: {  	s9 =	smul.u32 $0xF7A, s1;
	s8 =	simm.s32 @!p0 $0x1BF5;
	p2 =	por !p2, p0  }
0x20: {  	[sflag:s8] =	ssyncset.s32 @!p0 $0xFFFFF086;
	s6 =	sadd.s32 @!p0 s3, s7;
	s7 =	simm.s32 @!p0 $0x108  }
0x21: {  	s3 =	sadd.s32 s3, s9;
	s6 =	sadd.s32 @!p0 $0x88, s6;
	s7 =	simm.s32 @p2 $0x1082  }
0x22: {  	[simem:s7], [sflag:s8] =	dma.local @!p0 [hbm:s6], $0xF7A  }
0x23: {  	s9 =	sor.u32 $0xD0000000, s2;
	s6 =	simm.s32 $0x108;
	_ =	swait.ge @!p0 [sflag:s8], $0x0  }
0x24: {  	s3 =	sadd.s32 $0x88, s3;
	s6 =	simm.s32 @!p1 $0x1082;
	[sflag:s4] =	ssyncset.s32 $0xFFFFF086  }
0x25: {  	[simem:s6], [sflag:s4] =	dma.local [hbm:s3], $0xF7A  }
0x26: {  	[smem:$0x3F9E] =	sst s1;
	(tag) =	ssettag s2;
	_ =	strace s9  }
0x27: {  	s1 =	sld [smem:$0x3FAE]  }
0x28: {  	s2 =	sld [smem:$0x3FAF]  }
0x29: {  	s4 =	sld [smem:$0x3FB1]  }
0x2a: {  	p0 =	seq.s32 s5, $0x0;
	s5 =	sld [smem:$0x3FB2]  }
0x2b: {  	s6 =	sld [smem:$0x3FB3]  }
0x2c: {  	s7 =	sld [smem:$0x3FB4]  }
0x2d: {  	s3 =	simm.s32 $0x108;
	s8 =	sld [smem:$0x3FB5]  }
0x2e: {  	s3 =	simm.s32 @!p0 $0x1082;
	s9 =	sld [smem:$0x3FB6]  }
0x2f: {  	lr =	sadd.s32 s0, s3;
	s0 =	sld [smem:$0x3FAD]  }
0x30: {  	s3 =	sld [smem:$0x3FB0]  }
0x31: {  	[smem:$0x3FB9] =	sst s10  }
0x32: {  	s10 =	sld [smem:$0x3FB7];
	_ =	sdelay $0x3  }
0x33: {  	p0 =	seq.s32 s10, $0x1;
	s10 =	sld [smem:$0x3FB9];
	_ =	sdelay $0x3  }
0x34: {  	[smem:$0x3FB9] =	sst s10  }
0x35: {  	s10 =	sld [smem:$0x3FB8];
	_ =	sdelay $0x3  }
0x36: {  	p1 =	seq.s32 s10, $0x1;
	s10 =	sld [smem:$0x3FB9];
	_ =	sdelay $0x3  }
0x37: {  	[smem:$0x3FB9] =	sst s10  }
0x38: {  	s10 =	sld [smem:$0x3FBA]  }
0x39: {  	_ = 	snop;
	(pc) =	sbr.ind lr, $3  }
0x3a: {  	_ = 	snop  }
0x3b: {  	_ = 	snop  }
0x3c: {  	p2 =	seq.s32 s10, $0x1;
	s10 =	sld [smem:$0x3FB9]  }
0x3d: {  	_ =	shalt  }
0x3e: {  	_ =	shalt  }
0x3f: {  	_ =	shalt  }
0x40: {  	_ =	shalt  }
0x41: {  	_ =	shalt  }
0x42: {  	_ =	shalt  }
0x43: {  	_ =	shalt  }
0x44: {  	_ =	shalt  }
0x45: {  	_ =	shalt  }
0x46: {  	_ =	shalt  }
0x47: {  	_ =	shalt  }
0x48: {  	_ =	shalt  }
0x49: {  	_ =	shalt  }
0x4a: {  	_ =	shalt  }
0x4b: {  	_ =	shalt  }
0x4c: {  	_ =	shalt  }
0x4d: {  	_ =	shalt  }
0x4e: {  	_ =	shalt  }
0x4f: {  	_ =	shalt  }
0x50: {  	_ =	shalt  }
0x51: {  	_ =	shalt  }
0x52: {  	_ =	shalt  }
0x53: {  	_ =	shalt  }
0x54: {  	_ =	shalt  }
0x55: {  	_ =	shalt  }
0x56: {  	_ =	shalt  }
0x57: {  	_ =	shalt  }
0x58: {  	_ =	shalt  }
0x59: {  	_ =	shalt  }
0x5a: {  	_ =	shalt  }
0x5b: {  	_ =	shalt  }
0x5c: {  	_ =	shalt  }
0x5d: {  	_ =	shalt  }
0x5e: {  	_ =	shalt  }
0x5f: {  	_ =	shalt  }
0x60: {  	_ =	shalt  }
0x61: {  	_ =	shalt  }
0x62: {  	_ =	shalt  }
0x63: {  	_ =	shalt  }
0x64: {  	_ =	shalt  }
0x65: {  	_ =	shalt  }
0x66: {  	_ =	shalt  }
0x67: {  	_ =	shalt  }
0x68: {  	_ =	shalt  }
0x69: {  	_ =	shalt  }
0x6a: {  	_ =	shalt  }
0x6b: {  	_ =	shalt  }
0x6c: {  	_ =	shalt  }
0x6d: {  	_ =	shalt  }
0x6e: {  	_ =	shalt  }
0x6f: {  	_ =	shalt  }
0x70: {  	_ =	shalt  }
0x71: {  	_ =	shalt  }
0x72: {  	_ =	shalt  }
0x73: {  	_ =	shalt  }
0x74: {  	_ =	shalt  }
0x75: {  	_ =	shalt  }
0x76: {  	_ =	shalt  }
0x77: {  	_ =	shalt  }
0x78: {  	_ =	shalt  }
0x79: {  	_ =	shalt  }
0x7a: {  	_ =	shalt  }
0x7b: {  	_ =	shalt  }
0x7c: {  	_ =	shalt  }
0x7d: {  	_ =	shalt  }
0x7e: {  	_ =	shalt  }
0x7f: {  	_ =	shalt  }
0x80: {  	_ =	shalt  }
0x81: {  	_ =	shalt  }
0x82: {  	_ =	shalt  }
0x83: {  	_ =	shalt  }
0x84: {  	_ =	shalt  }
0x85: {  	_ =	shalt  }
0x86: {  	_ =	shalt  }
0x87: {  	_ =	shalt  }
.Lfunc_end0:
.L_simem_size_0:
called_computation_lowered:
.L_overlay_start_0:
0x88: {  	s2 =	sld [smem:$0x3FD9]  }
0x89: {  	s3 =	sld [smem:$0x3FFE];
	_ =	sdelay $0x1  }
0x8a: {  	s1 =	srdreg.scid  }
0x8b: {  	s0 =	sand.u32 $0x1, s1  }
0x8c: {  	s14 =	sshll.u32 s0, $0xA;
	s2 =	sadd.s32 s3, s2  }
0x8d: {  	s2 =	sadd.s32 s2, s14  }
0x8e: {  	[smem:$0x3FC5] =	sst s2  }
0x8f: {  	_ = 	snop  }
0x90: {  	s2 =	sld [smem:$0x3FD0];
	_ =	sdelay $0x2  }
0x91: {  	s15 =	simm.s32 $0xA;
	s4 =	simm.s32 $0x10  }
0x92: {  	[smem:s4], [sflag:s15] =	dma.local [hbm:s2], $0x1  }
0x93: {  	_ =	swait.eq [sflag:s15], $0x1  }
0x94: {  	[sflag:s15] =	ssyncset.done $0x0  }
0x95: {  	[sflag:s15] =	ssyncadd.s32 $0xFFFFFFFF  }
0x96: {  	s16 =	sld [smem:$0x10];
	(tm) =	ssettm $0x1  }
0x97: {  	s17 =	sld [smem:$0x3FFB];
	_ =	sdelay $0x3  }
0x98: {  	_ =	strace s17  }
0x99: {  	s3 =	sld [smem:$0x3FFC];
	_ =	sdelay $0x3  }
0x9a: {  	_ =	strace s3  }
0x9b: {  	s3 =	sld [smem:$0x3FFD];
	_ =	sdelay $0x3  }
0x9c: {  	_ =	strace s3  }
0x9d: {  	_ =	strace $0x8FFFFFFF  }
0x9e: {  	s18 =	sld [smem:$0x3FDB];
	_ =	sdelay $0x1  }
0x9f: {  	s19 =	simm.s32 $_scs_section_size  }
0xa0: {  	s5 =	simm.s32 $_size__tile_overlayer_lowered;
	s6 =	simm.s32 $_tile_overlayer_lowered  }
0xa1: {  	s22 =	simm.s32 $0x1BFF;
	s21 =	sshll.u32 s6, $0x1;
	s3 =	sadd.s32 s19, s18  }
0xa2: {  	s7 =	simm.s32 $0x0;
	s20 =	sshll.u32 s5, $0x1;
	s5 =	sadd.s32 s21, s3  }
0xa3: {  	[timem:s7], [sflag:s22] =	dma.local [hbm:s5], s20  }
0xa4: {  	_ =	swait.ge [sflag:s22], s20  }
0xa5: {  	s4 =	ssub.s32 $0x0, s20;
	[sflag:s22] =	ssyncset.done $0x0  }
0xa6: {  	[sflag:s22] =	ssyncadd.s32 s4;
	_ =	sdelay $0x1  }
0xa7: {  	s23 =	simm.s32 $0x1B8B  }
0xa8: {  	_ =	swait.ge [sflag:s23], $0x1  }
0xa9: {  	[sflag:s23] =	ssyncset.done $0x0  }
0xaa: {  	s25 =	simm.s32 $0x1B8E;
	s24 =	sld [smem:$0x3FFE];
	[sflag:s23] =	ssyncadd.s32 $0xFFFFFFFF  }
0xab: {  	s26 =	simm.s32 $execute0_lowered;
	[smem:$0x3FD2] =	sst s25  }
0xac: {  	s5 =	sshll.u32 s26, $0x1;
	_ =	strace $0x80000046;
	[dreg:$0x1] =	wrdreg $0xFFFFFFFF  }
0xad: {  	s28 =	simm.s32 $_size_execute0_lowered;
	s3 =	sadd.s32 s3, s5;
	[dreg:$0x0] =	wrdreg $0x0  }
0xae: {  	s5 =	sshll.u32 s28, $0x1;
	[dreg:$0x2] =	wrdreg s3  }
0xaf: {  	[dreg:$0x3] =	wrdreg s5  }
0xb0: {  	[dreg:$0x4] =	wrdreg $0xC0  }
0xb1: {  	_ =	task [dreg:s7], $0x5FFFF  }
0xb2: {  	[dreg:$0x1] =	wrdreg $0xFFFFFFFF  }
0xb3: {  	[dreg:$0x0] =	wrdreg $0x60  }
0xb4: {  	[dreg:$0x2] =	wrdreg s24  }
0xb5: {  	[dreg:$0x3] =	wrdreg s16  }
0xb6: {  	[dreg:$0x4] =	wrdreg $0x9  }
0xb7: {  	_ =	task.clear_ibuf [dreg:s7], $0x5FFFF;
	_ =	strace $0x90000046  }
0xb8: {  	s29 =	simm.s32 $0x9;
	_ =	strace $0x80000048  }
0xb9: {  	_ =	swait.ge [sflag:s29], $0x1  }
0xba: {  	[sflag:s29] =	ssyncadd.s32 $0xFFFFFFFF  }
0xbb: {  	_ =	strace $0x90000048  }
0xbc: {  	_ =	sfence  }
0xbd: {  	s30 =	sld [smem:$0x0];
	_ =	sdelay $0x2  }
0xbe: {  	s31 =	sshll.u32 s1, $0xD;
	s1 =	sshrl.u32 s1, $0x2  }
0xbf: {  	s3 =	sand.u32 $0x4000, s31;
	s1 =	sadd.s32 s1, s30  }
0xc0: {  	s0 =	sor.u32 s3, s0;
	s1 =	sshll.u32 s1, $0x11  }
0xc1: {  	s0 =	sor.u32 s1, s0  }
0xc2: {  	s0 =	sadd.s32 $0x8F2B, s0  }
0xc3: {  	[sflag:s0] =	ssyncadd.remote.s32 $0x1  }
0xc4: {  	_ =	sfence.sel $0xFFFF  }
0xc5: {  	[dreg:$0x0] =	wrdreg $0xFFFFFFFF;
	(pc) =	sbr.abs _section_cstart, $3  }
0xc6: {  	[dreg:$0x1] =	wrdreg $0xFFFFFFFF  }
0xc7: {  	_ =	task.clear_ibuf [dreg:s7], $0x2FFFF;
	_ =	strace $0x9FFFFFFF  }
0xc8: {  	(tm) =	ssettm $0x7FFFFFFF  }
0xc9: {  	_ =	shalt  }
tec
execute0_lowered:
.L_overlay_start_1:
0x0: {  	(tag) =	ssettag $0x1  }
0x1: {  	s0 =	srdreg.scid  }
0x2: {  	s2 =	stileid.u32;
	s1 =	rddreg [dreg:$0x0];
	s17 =	simm.s32 $0x3  }
0x3: {  	s18 =	simm.s32 $0x80;
	s19 =	simm.s32 $0x6400;
	s20 =	simm.s32 $0xA400  }
0x4: {  	s22 =	simm.s32 $0xE400;
	s24 =	simm.s32 $0x12400;
	s25 =	simm.s32 $0x1  }
0x5: {  	s28 =	simm.s32 $0x16400;
	s30 =	simm.s32 $0x1A400;
	s31 =	simm.s32 $0x2  }
0x6: {  	s23 =	simm.s32 $0x0;
	s0 =	sand.u32 $0x1, s0;
	s3 =	sshll.u32 s2, $0x1  }
0x7: {  	s2 =	rddreg [dreg:$0x1];
	s5 =	sadd.s32 $0x19600, s1;
	s6 =	sor.u32 s0, s3  }
0x8: {  	s3 =	simm.s32 $0x0;
	s0 =	ssub.s32 $0x2, s0;
	s4 =	smul.u32 $0x6400, s6  }
0x9: {  	[smem:$0x7FF] =	sst s3;
	s8 =	smul.u32 $0x64000, s6;
	s9 =	sshll.u32 s6, $0x1  }
0xa: {  	s10 =	sshrl.u32 s0, $0x1;
	s11 =	smul.u32 $0x320000, s6;
	_ =	strace $0x80000047  }
0xb: {  	s0 =	ssub.s32 s0, s10;
	s7 =	sshrl.u32 s4, $0x3;
	s6 =	sadd.s32 s2, s8  }
0xc: {  	s11 =	sshrl.u32 s11, $0x3;
	s10 =	sor.u32 $0x100, s4;
	s16 =	smax.u32 s0, $0x1  }
0xd: {  	s7 =	sadd.s32 s7, s1;
	s1 =	sadd.s32 s9, s1;
	s8 =	sadd.s32 $0x1000, s6  }
0xe: {  	s9 =	sadd.s32 $0x2000, s6;
	s14 =	sadd.s32 s2, s11;
	s7 =	sadd.s32 $0x600, s7  }
0xf: {  	s11 =	sadd.s32 $0x60000, s14;
	s12 =	sadd.s32 $0x61000, s14;
	s13 =	sadd.s32 $0x62000, s14  }
0x10: {  	s14 =	sadd.s32 $0x63000, s14;
	s15 =	sadd.s32 $0x1A0000, s1;
	[dreg:$0x3] =	wrdreg s7  }
.LBB2_1:
0x11: {  	s0 =	rddreg [dreg:$0x3]  }
0x12: {  	[tilespmem:s3], [sflag:$0x3] =	stream.linear.gather [hbm4b:s0+s3], $0x6400, $0x38;
	[tilespmem:$0x1E480] =	vst v63  }
0x13: {  	_ =	swait.ge [sflag:s17], $0x6400  }
0x14: {  	[sflag:s17] =	ssyncset.done $0x0  }
0x15: {  	[sflag:s17] =	ssyncadd.s32 $0xFFFF9C00  }
0x16: {  	[tilespmem:s19], [sflag:$0x1] =	stream.indirect.gather [hbm4b:s5+s18], $0x80, s3, s18, $0xb8;
	[tilespmem:$0x1E480] =	vst v63  }
0x17: {  	_ = 	snop  }
0x18: {  	[tilespmem:s20], [sflag:$0x1] =	stream.indirect.gather [hbm4b:s5+s18], $0x80, s18, s18, $0xb8;
	[tilespmem:$0x1E480] =	vst v63  }
0x19: {  	s26 =	simm.s32 $0x100  }
0x1a: {  	[tilespmem:s22], [sflag:$0x1] =	stream.indirect.gather [hbm4b:s5+s18], $0x80, s26, s18, $0xb8;
	[tilespmem:$0x1E480] =	vst v63  }
0x1b: {  	s29 =	simm.s32 $0x180  }
0x1c: {  	[tilespmem:s24], [sflag:$0x1] =	stream.indirect.gather [hbm4b:s5+s18], $0x80, s29, s18, $0xb8;
	[tilespmem:$0x1E480] =	vst v63  }
0x1d: {  	_ =	swait.ge [sflag:s25], $0x4000  }
0x1e: {  	[sflag:s25] =	ssyncset.done $0x0  }
0x1f: {  	[sflag:s25] =	ssyncadd.s32 $0xFFFFC000  }
0x20: {  	_ =	swait.ge [sflag:s25], $0x4000  }
0x21: {  	[sflag:s25] =	ssyncset.done $0x0  }
0x22: {  	s21 =	simm.s32 $0x0;
	[sflag:s25] =	ssyncadd.s32 $0xFFFFC000  }
0x23: {  	[hbm4b:s6+s3] =	stream.linear.scatter [tilespmem:s19], [sflag:$0x2], $0x8000, $0x38;
	[tilespmem:$0x1E480] =	vst v63  }
0x24: {  	v0 =	vld [tilespmem:s21+$0x6470]  }
0x25: {  	v2 =	vld [tilespmem:s21+$0x6400]  }
0x26: {  	v4 =	vld [tilespmem:s21+$0x6410]  }
0x27: {  	v5 =	vld [tilespmem:s21+$0x6420]  }
0x28: {  	v8 =	vld [tilespmem:s21+$0x6430]  }
0x29: {  	v3 =	vimm.f32 $0.0e+00;
	v9 =	vimm.f32 $0.0e+00;
	v6 =	vld [tilespmem:s21+$0x6440]  }
0x2a: {  	v10 =	vimm.f32 $0.0e+00;
	v7 =	vimm.f32 $0.0e+00;
	v11 =	vld [tilespmem:s21+$0x6450];
	v1 =	vadd.f32 v0, v3  }
0x2b: {  	s1 =	simm.s32 $0x80;
	s0 =	simm.s32 $0x400;
	v12 =	vld [tilespmem:s21+$0x6460];
	v0 =	vadd.f32 v2, v3;
	v2 =	vadd.f32 v4, v3;
	v4 =	vimm.f32 $0.0e+00  }
.LBB2_2:
0x2c: {  	p0 =	sne.s32 s0, $0x1FE00;
	v13 =	vld [tilespmem:s1+$0x6470];
	v3 =	vadd.f32 v5, v3  }
0x2d: {  	v14 =	vld [tilespmem:s1+$0x6400];
	v4 =	vadd.f32 v8, v4  }
0x2e: {  	v15 =	vld [tilespmem:s1+$0x6410];
	v9 =	vadd.f32 v6, v9  }
.Ltmp0:
0x2f: {  	v5 =	vld [tilespmem:s1+$0x6420];
	v10 =	vadd.f32 v11, v10;
	(pc) =	sbr.rel @p0 .LBB2_2-.Ltmp0, $4  }
0x30: {  	v8 =	vld [tilespmem:s1+$0x6430];
	v7 =	vadd.f32 v12, v7  }
0x31: {  	v6 =	vld [tilespmem:s1+$0x6440];
	v1 =	vadd.f32 v13, v1  }
0x32: {  	v0 =	vadd.f32 v14, v0;
	v11 =	vld [tilespmem:s1+$0x6450]  }
0x33: {  	v2 =	vadd.f32 v15, v2;
	v12 =	vld [tilespmem:s1+$0x6460];
	s1 =	sshra.s32 s0, $0x2;
	s0 =	sadd.s32 $0x200, s0  }
0x34: {  	v13 =	vld [tilespmem:s1+$0x6470]  }
0x35: {  	v14 =	vld [tilespmem:s1+$0x6400]  }
0x36: {  	v15 =	vld [tilespmem:s1+$0x6410]  }
0x37: {  	v16 =	vld [tilespmem:s1+$0x6420]  }
0x38: {  	v17 =	vld [tilespmem:s1+$0x6430]  }
0x39: {  	v18 =	vld [tilespmem:s1+$0x6440]  }
0x3a: {  	v19 =	vld [tilespmem:s1+$0x6450];
	s0 =	simm.s32 $0x200  }
0x3b: {  	v20 =	vld [tilespmem:s1+$0x6460];
	[tilespmem:s28], [sflag:$0x1] =	stream.indirect.gather [hbm4b:s5+s18], $0x80, s0, s18, $0xb8  }
0x3c: {  	s26 =	simm.s32 $0x280  }
0x3d: {  	[tilespmem:s30], [sflag:$0x1] =	stream.indirect.gather [hbm4b:s5+s18], $0x80, s26, s18, $0xb8;
	[tilespmem:$0x1E480] =	vst v63  }
0x3e: {  	_ =	swait.ge [sflag:s25], $0x4000  }
0x3f: {  	[sflag:s25] =	ssyncset.done $0x0  }
0x40: {  	[sflag:s25] =	ssyncadd.s32 $0xFFFFC000  }
0x41: {  	_ =	swait.ge [sflag:s25], $0x4000  }
0x42: {  	[sflag:s25] =	ssyncset.done $0x0  }
0x43: {  	s29 =	simm.s32 $0x0;
	s21 =	simm.s32 $0x0;
	[sflag:s25] =	ssyncadd.s32 $0xFFFFC000  }
0x44: {  	[hbm4b:s8+s29] =	stream.linear.scatter [tilespmem:s22], [sflag:$0x2], $0x8000, $0x38;
	[tilespmem:$0x1E480] =	vst v63  }
0x45: {  	v3 =	vadd.f32 v5, v3;
	v4 =	vadd.f32 v8, v4;
	v5 =	vld [tilespmem:s21+$0xE470]  }
0x46: {  	v6 =	vadd.f32 v6, v9;
	v10 =	vadd.f32 v11, v10;
	v21 =	vld [tilespmem:s21+$0xE400]  }
0x47: {  	v7 =	vadd.f32 v12, v7;
	v11 =	vadd.f32 v13, v1;
	v12 =	vld [tilespmem:s21+$0xE410]  }
0x48: {  	v13 =	vadd.f32 v14, v0;
	v14 =	vadd.f32 v15, v2;
	v8 =	vld [tilespmem:s21+$0xE420]  }
0x49: {  	v0 =	vadd.f32 v16, v3;
	v1 =	vadd.f32 v17, v4;
	v9 =	vld [tilespmem:s21+$0xE430]  }
0x4a: {  	v2 =	vadd.f32 v18, v6;
	v3 =	vadd.f32 v19, v10;
	v10 =	vld [tilespmem:s21+$0xE440]  }
0x4b: {  	v4 =	vadd.f32 v20, v7;
	v5 =	vadd.f32 v5, v11;
	v11 =	vld [tilespmem:s21+$0xE450]  }
0x4c: {  	s1 =	simm.s32 $0x80;
	s0 =	simm.s32 $0x400;
	v6 =	vadd.f32 v21, v13;
	v7 =	vadd.f32 v12, v14;
	v12 =	vld [tilespmem:s21+$0xE460]  }
.LBB2_4:
0x4d: {  	p0 =	sne.s32 s0, $0x1FE00;
	v13 =	vld [tilespmem:s1+$0xE470];
	v0 =	vadd.f32 v8, v0  }
0x4e: {  	v14 =	vld [tilespmem:s1+$0xE400];
	v1 =	vadd.f32 v9, v1  }
0x4f: {  	v15 =	vld [tilespmem:s1+$0xE410];
	v2 =	vadd.f32 v10, v2  }
.Ltmp1:
0x50: {  	v8 =	vld [tilespmem:s1+$0xE420];
	v3 =	vadd.f32 v11, v3;
	(pc) =	sbr.rel @p0 .LBB2_4-.Ltmp1, $4  }
0x51: {  	v9 =	vld [tilespmem:s1+$0xE430];
	v4 =	vadd.f32 v12, v4  }
0x52: {  	v10 =	vld [tilespmem:s1+$0xE440];
	v5 =	vadd.f32 v13, v5  }
0x53: {  	v6 =	vadd.f32 v14, v6;
	v11 =	vld [tilespmem:s1+$0xE450]  }
0x54: {  	v7 =	vadd.f32 v15, v7;
	v12 =	vld [tilespmem:s1+$0xE460];
	s1 =	sshra.s32 s0, $0x2;
	s0 =	sadd.s32 $0x200, s0  }
0x55: {  	v13 =	vld [tilespmem:s1+$0xE470]  }
0x56: {  	v14 =	vld [tilespmem:s1+$0xE400]  }
0x57: {  	v15 =	vld [tilespmem:s1+$0xE410]  }
0x58: {  	v16 =	vld [tilespmem:s1+$0xE420]  }
0x59: {  	v17 =	vld [tilespmem:s1+$0xE430]  }
0x5a: {  	v18 =	vld [tilespmem:s1+$0xE440]  }
0x5b: {  	v19 =	vld [tilespmem:s1+$0xE450]  }
0x5c: {  	v20 =	vld [tilespmem:s1+$0xE460];
	_ =	swait.ge [sflag:s31], $0x8000  }
0x5d: {  	[sflag:s31] =	ssyncset.done $0x0  }
0x5e: {  	s0 =	simm.s32 $0x300;
	[sflag:s31] =	ssyncadd.s32 $0xFFFF8000  }
0x5f: {  	[tilespmem:s19], [sflag:$0x1] =	stream.indirect.gather [hbm4b:s5+s18], $0x80, s0, s18, $0xb8;
	[tilespmem:$0x1E480] =	vst v63  }
0x60: {  	s26 =	simm.s32 $0x380  }
0x61: {  	[tilespmem:s20], [sflag:$0x1] =	stream.indirect.gather [hbm4b:s5+s18], $0x80, s26, s18, $0xb8;
	[tilespmem:$0x1E480] =	vst v63  }
0x62: {  	_ =	swait.ge [sflag:s25], $0x4000  }
0x63: {  	[sflag:s25] =	ssyncset.done $0x0  }
0x64: {  	[sflag:s25] =	ssyncadd.s32 $0xFFFFC000  }
0x65: {  	_ =	swait.ge [sflag:s25], $0x4000  }
0x66: {  	[sflag:s25] =	ssyncset.done $0x0  }
0x67: {  	s29 =	simm.s32 $0x0;
	s21 =	simm.s32 $0x0;
	[sflag:s25] =	ssyncadd.s32 $0xFFFFC000  }
0x68: {  	[hbm4b:s9+s29] =	stream.linear.scatter [tilespmem:s28], [sflag:$0x2], $0x8000, $0x38;
	[tilespmem:$0x1E480] =	vst v63  }
0x69: {  	v0 =	vadd.f32 v8, v0;
	v1 =	vadd.f32 v9, v1;
	v21 =	vld [tilespmem:s21+$0x16470]  }
0x6a: {  	v2 =	vadd.f32 v10, v2;
	v10 =	vadd.f32 v11, v3;
	v22 =	vld [tilespmem:s21+$0x16400]  }
0x6b: {  	v11 =	vadd.f32 v12, v4;
	v12 =	vadd.f32 v13, v5;
	v13 =	vld [tilespmem:s21+$0x16410]  }
0x6c: {  	v6 =	vadd.f32 v14, v6;
	v7 =	vadd.f32 v15, v7;
	v8 =	vld [tilespmem:s21+$0x16420]  }
0x6d: {  	v3 =	vadd.f32 v16, v0;
	v0 =	vadd.f32 v17, v1;
	v9 =	vld [tilespmem:s21+$0x16430]  }
0x6e: {  	v4 =	vadd.f32 v18, v2;
	v1 =	vadd.f32 v19, v10;
	v10 =	vld [tilespmem:s21+$0x16440]  }
0x6f: {  	v5 =	vadd.f32 v20, v11;
	v11 =	vld [tilespmem:s21+$0x16450];
	v2 =	vadd.f32 v21, v12  }
0x70: {  	s1 =	simm.s32 $0x80;
	s0 =	simm.s32 $0x400;
	v6 =	vadd.f32 v22, v6;
	v7 =	vadd.f32 v13, v7;
	v12 =	vld [tilespmem:s21+$0x16460]  }
.LBB2_6:
0x71: {  	p0 =	sne.s32 s0, $0x1FE00;
	v13 =	vld [tilespmem:s1+$0x16470];
	v3 =	vadd.f32 v8, v3  }
0x72: {  	v14 =	vld [tilespmem:s1+$0x16400];
	v0 =	vadd.f32 v9, v0  }
0x73: {  	v15 =	vld [tilespmem:s1+$0x16410];
	v4 =	vadd.f32 v10, v4  }
.Ltmp2:
0x74: {  	v8 =	vld [tilespmem:s1+$0x16420];
	v1 =	vadd.f32 v11, v1;
	(pc) =	sbr.rel @p0 .LBB2_6-.Ltmp2, $4  }
0x75: {  	v9 =	vld [tilespmem:s1+$0x16430];
	v5 =	vadd.f32 v12, v5  }
0x76: {  	v10 =	vld [tilespmem:s1+$0x16440];
	v2 =	vadd.f32 v13, v2  }
0x77: {  	v6 =	vadd.f32 v14, v6;
	v11 =	vld [tilespmem:s1+$0x16450]  }
0x78: {  	v7 =	vadd.f32 v15, v7;
	v12 =	vld [tilespmem:s1+$0x16460];
	s1 =	sshra.s32 s0, $0x2;
	s0 =	sadd.s32 $0x200, s0  }
0x79: {  	v13 =	vld [tilespmem:s1+$0x16470]  }
0x7a: {  	v14 =	vld [tilespmem:s1+$0x16400]  }
0x7b: {  	v15 =	vld [tilespmem:s1+$0x16410]  }
0x7c: {  	v16 =	vld [tilespmem:s1+$0x16420]  }
0x7d: {  	v17 =	vld [tilespmem:s1+$0x16430]  }
0x7e: {  	v18 =	vld [tilespmem:s1+$0x16440]  }
0x7f: {  	v19 =	vld [tilespmem:s1+$0x16450];
	v3 =	vadd.f32 v8, v3  }
0x80: {  	v20 =	vld [tilespmem:s1+$0x16460];
	_ =	swait.ge [sflag:s31], $0x8000;
	v0 =	vadd.f32 v9, v0;
	v8 =	vadd.f32 v10, v4  }
0x81: {  	[sflag:s31] =	ssyncset.done $0x0;
	v62 =	vadd.f32 v11, v1;
	v63 =	vadd.f32 v12, v5  }
0x82: {  	s0 =	simm.s32 $0x400;
	[sflag:s31] =	ssyncadd.s32 $0xFFFF8000;
	v5 =	vadd.f32 v13, v2;
	v6 =	vadd.f32 v14, v6  }
0x83: {  	[tilespmem:s22], [sflag:$0x1] =	stream.indirect.gather [hbm4b:s5+s18], $0x80, s0, s18, $0xb8;
	v7 =	vadd.f32 v15, v7;
	v1 =	vadd.f32 v16, v3;
	[tilespmem:$0x1E480] =	vst v63  }
0x84: {  	s29 =	simm.s32 $0x480;
	s26 =	simm.s32 $0x1;
	v4 =	vadd.f32 v17, v0;
	v2 =	vadd.f32 v18, v8  }
0x85: {  	[tilespmem:s24], [sflag:$0x1] =	stream.indirect.gather [hbm4b:s5+s18], $0x80, s29, s18, $0xb8;
	v3 =	vadd.f32 v19, v62;
	v0 =	vadd.f32 v20, v63;
	[tilespmem:$0x1E480] =	vst v63  }
.LBB2_8:
0x86: {  	_ =	swait.ge [sflag:s25], $0x4000  }
0x87: {  	s29 =	smul.u32 $0x300, s26;
	[sflag:s25] =	ssyncset.done $0x0  }
0x88: {  	[sflag:s25] =	ssyncadd.s32 $0xFFFFC000  }
0x89: {  	s0 =	sadd.s32 s4, s29;
	_ =	swait.ge [sflag:s25], $0x4000  }
0x8a: {  	s1 =	simm.s32 $0x0;
	s0 =	sshll.u32 s0, $0x4;
	[sflag:s25] =	ssyncset.done $0x0  }
0x8b: {  	s21 =	simm.s32 $0x0;
	s0 =	sadd.s32 s2, s0;
	[sflag:s25] =	ssyncadd.s32 $0xFFFFC000  }
0x8c: {  	[hbm4b:s0+s1] =	stream.linear.scatter [tilespmem:s19], [sflag:$0x2], $0x8000, $0x38;
	[tilespmem:$0x1E480] =	vst v63  }
0x8d: {  	v11 =	vld [tilespmem:s21+$0x6470]  }
0x8e: {  	v12 =	vld [tilespmem:s21+$0x6400]  }
0x8f: {  	v13 =	vld [tilespmem:s21+$0x6410]  }
0x90: {  	v9 =	vld [tilespmem:s21+$0x6420]  }
0x91: {  	v10 =	vld [tilespmem:s21+$0x6430]  }
0x92: {  	v8 =	vld [tilespmem:s21+$0x6440]  }
0x93: {  	v5 =	vadd.f32 v11, v5;
	v11 =	vld [tilespmem:s21+$0x6450]  }
0x94: {  	s1 =	simm.s32 $0x80;
	s0 =	simm.s32 $0x400;
	v6 =	vadd.f32 v12, v6;
	v7 =	vadd.f32 v13, v7;
	v12 =	vld [tilespmem:s21+$0x6460]  }
.LBB2_9:
0x95: {  	p0 =	sne.s32 s0, $0x1FE00;
	v13 =	vld [tilespmem:s1+$0x6470];
	v1 =	vadd.f32 v9, v1  }
0x96: {  	v14 =	vld [tilespmem:s1+$0x6400];
	v4 =	vadd.f32 v10, v4  }
0x97: {  	v15 =	vld [tilespmem:s1+$0x6410];
	v2 =	vadd.f32 v8, v2  }
.Ltmp3:
0x98: {  	v9 =	vld [tilespmem:s1+$0x6420];
	v3 =	vadd.f32 v11, v3;
	(pc) =	sbr.rel @p0 .LBB2_9-.Ltmp3, $4  }
0x99: {  	v10 =	vld [tilespmem:s1+$0x6430];
	v0 =	vadd.f32 v12, v0  }
0x9a: {  	v8 =	vld [tilespmem:s1+$0x6440];
	v5 =	vadd.f32 v13, v5  }
0x9b: {  	v6 =	vadd.f32 v14, v6;
	v11 =	vld [tilespmem:s1+$0x6450]  }
0x9c: {  	v7 =	vadd.f32 v15, v7;
	v12 =	vld [tilespmem:s1+$0x6460];
	s1 =	sshra.s32 s0, $0x2;
	s0 =	sadd.s32 $0x200, s0  }
0x9d: {  	v13 =	vld [tilespmem:s1+$0x6470]  }
0x9e: {  	v14 =	vld [tilespmem:s1+$0x6400]  }
0x9f: {  	v15 =	vld [tilespmem:s1+$0x6410]  }
0xa0: {  	v16 =	vld [tilespmem:s1+$0x6420]  }
0xa1: {  	v17 =	vld [tilespmem:s1+$0x6430]  }
0xa2: {  	v18 =	vld [tilespmem:s1+$0x6440]  }
0xa3: {  	v19 =	vld [tilespmem:s1+$0x6450]  }
0xa4: {  	v20 =	vld [tilespmem:s1+$0x6460];
	_ =	swait.ge [sflag:s31], $0x8000  }
0xa5: {  	[sflag:s31] =	ssyncset.done $0x0  }
0xa6: {  	s1 =	sadd.s32 $0x200, s29;
	[sflag:s31] =	ssyncadd.s32 $0xFFFF8000  }
0xa7: {  	[tilespmem:s28], [sflag:$0x1] =	stream.indirect.gather [hbm4b:s5+s18], $0x80, s1, s18, $0xb8;
	[tilespmem:$0x1E480] =	vst v63  }
0xa8: {  	s0 =	sadd.s32 $0x280, s29  }
0xa9: {  	[tilespmem:s30], [sflag:$0x1] =	stream.indirect.gather [hbm4b:s5+s18], $0x80, s0, s18, $0xb8;
	[tilespmem:$0x1E480] =	vst v63  }
0xaa: {  	_ =	swait.ge [sflag:s25], $0x4000  }
0xab: {  	[sflag:s25] =	ssyncset.done $0x0  }
0xac: {  	[sflag:s25] =	ssyncadd.s32 $0xFFFFC000  }
0xad: {  	s21 =	sadd.s32 s29, s10;
	_ =	swait.ge [sflag:s25], $0x4000  }
0xae: {  	s7 =	simm.s32 $0x0;
	s0 =	sshll.u32 s21, $0x4;
	[sflag:s25] =	ssyncset.done $0x0  }
0xaf: {  	s21 =	simm.s32 $0x0;
	s0 =	sadd.s32 s2, s0;
	[sflag:s25] =	ssyncadd.s32 $0xFFFFC000  }
0xb0: {  	[hbm4b:s0+s21] =	stream.linear.scatter [tilespmem:s22], [sflag:$0x2], $0x8000, $0x38;
	[tilespmem:$0x1E480] =	vst v63  }
0xb1: {  	v1 =	vadd.f32 v9, v1;
	v4 =	vadd.f32 v10, v4;
	v21 =	vld [tilespmem:s7+$0xE470]  }
0xb2: {  	v2 =	vadd.f32 v8, v2;
	v3 =	vadd.f32 v11, v3;
	v22 =	vld [tilespmem:s7+$0xE400]  }
0xb3: {  	v11 =	vadd.f32 v12, v0;
	v5 =	vadd.f32 v13, v5;
	v12 =	vld [tilespmem:s7+$0xE410]  }
0xb4: {  	v6 =	vadd.f32 v14, v6;
	v7 =	vadd.f32 v15, v7;
	v8 =	vld [tilespmem:s7+$0xE420]  }
0xb5: {  	v0 =	vadd.f32 v16, v1;
	v1 =	vadd.f32 v17, v4;
	v9 =	vld [tilespmem:s7+$0xE430]  }
0xb6: {  	v2 =	vadd.f32 v18, v2;
	v3 =	vadd.f32 v19, v3;
	v10 =	vld [tilespmem:s7+$0xE440]  }
0xb7: {  	v4 =	vadd.f32 v20, v11;
	v11 =	vld [tilespmem:s7+$0xE450];
	v5 =	vadd.f32 v21, v5  }
0xb8: {  	s0 =	simm.s32 $0x80;
	s21 =	simm.s32 $0x400;
	v6 =	vadd.f32 v22, v6;
	v7 =	vadd.f32 v12, v7;
	v12 =	vld [tilespmem:s7+$0xE460]  }
.LBB2_11:
0xb9: {  	p0 =	sne.s32 s21, $0x1FE00;
	v13 =	vld [tilespmem:s0+$0xE470];
	v0 =	vadd.f32 v8, v0  }
0xba: {  	v14 =	vld [tilespmem:s0+$0xE400];
	v1 =	vadd.f32 v9, v1  }
0xbb: {  	v15 =	vld [tilespmem:s0+$0xE410];
	v2 =	vadd.f32 v10, v2  }
.Ltmp4:
0xbc: {  	v8 =	vld [tilespmem:s0+$0xE420];
	v3 =	vadd.f32 v11, v3;
	(pc) =	sbr.rel @p0 .LBB2_11-.Ltmp4, $4  }
0xbd: {  	v9 =	vld [tilespmem:s0+$0xE430];
	v4 =	vadd.f32 v12, v4  }
0xbe: {  	v10 =	vld [tilespmem:s0+$0xE440];
	v5 =	vadd.f32 v13, v5  }
0xbf: {  	v6 =	vadd.f32 v14, v6;
	v11 =	vld [tilespmem:s0+$0xE450]  }
0xc0: {  	v7 =	vadd.f32 v15, v7;
	v12 =	vld [tilespmem:s0+$0xE460];
	s0 =	sshra.s32 s21, $0x2;
	s21 =	sadd.s32 $0x200, s21  }
0xc1: {  	v13 =	vld [tilespmem:s0+$0xE470]  }
0xc2: {  	v14 =	vld [tilespmem:s0+$0xE400]  }
0xc3: {  	v15 =	vld [tilespmem:s0+$0xE410]  }
0xc4: {  	v16 =	vld [tilespmem:s0+$0xE420]  }
0xc5: {  	v17 =	vld [tilespmem:s0+$0xE430]  }
0xc6: {  	v18 =	vld [tilespmem:s0+$0xE440]  }
0xc7: {  	v19 =	vld [tilespmem:s0+$0xE450]  }
0xc8: {  	v20 =	vld [tilespmem:s0+$0xE460];
	_ =	swait.ge [sflag:s31], $0x8000  }
0xc9: {  	[sflag:s31] =	ssyncset.done $0x0  }
0xca: {  	s7 =	sadd.s32 $0x300, s29;
	[sflag:s31] =	ssyncadd.s32 $0xFFFF8000  }
0xcb: {  	[tilespmem:s19], [sflag:$0x1] =	stream.indirect.gather [hbm4b:s5+s18], $0x80, s7, s18, $0xb8;
	[tilespmem:$0x1E480] =	vst v63  }
0xcc: {  	s21 =	sadd.s32 $0x380, s29  }
0xcd: {  	[tilespmem:s20], [sflag:$0x1] =	stream.indirect.gather [hbm4b:s5+s18], $0x80, s21, s18, $0xb8;
	[tilespmem:$0x1E480] =	vst v63  }
0xce: {  	_ =	swait.ge [sflag:s25], $0x4000  }
0xcf: {  	[sflag:s25] =	ssyncset.done $0x0  }
0xd0: {  	[sflag:s25] =	ssyncadd.s32 $0xFFFFC000  }
0xd1: {  	s7 =	sadd.s32 s4, s1;
	_ =	swait.ge [sflag:s25], $0x4000  }
0xd2: {  	s0 =	sshll.u32 s7, $0x4;
	s7 =	simm.s32 $0x0;
	[sflag:s25] =	ssyncset.done $0x0  }
0xd3: {  	s0 =	sadd.s32 s2, s0;
	s21 =	simm.s32 $0x0;
	[sflag:s25] =	ssyncadd.s32 $0xFFFFC000  }
0xd4: {  	[hbm4b:s0+s21] =	stream.linear.scatter [tilespmem:s28], [sflag:$0x2], $0x8000, $0x38;
	[tilespmem:$0x1E480] =	vst v63  }
0xd5: {  	v0 =	vadd.f32 v8, v0;
	v1 =	vadd.f32 v9, v1;
	v21 =	vld [tilespmem:s7+$0x16470]  }
0xd6: {  	v2 =	vadd.f32 v10, v2;
	v10 =	vadd.f32 v11, v3;
	v22 =	vld [tilespmem:s7+$0x16400]  }
0xd7: {  	v4 =	vadd.f32 v12, v4;
	v11 =	vadd.f32 v13, v5;
	v12 =	vld [tilespmem:s7+$0x16410]  }
0xd8: {  	v6 =	vadd.f32 v14, v6;
	v7 =	vadd.f32 v15, v7;
	v8 =	vld [tilespmem:s7+$0x16420]  }
0xd9: {  	v5 =	vadd.f32 v16, v0;
	v0 =	vadd.f32 v17, v1;
	v9 =	vld [tilespmem:s7+$0x16430]  }
0xda: {  	v3 =	vadd.f32 v18, v2;
	v1 =	vadd.f32 v19, v10;
	v10 =	vld [tilespmem:s7+$0x16440]  }
0xdb: {  	v4 =	vadd.f32 v20, v4;
	v2 =	vadd.f32 v21, v11;
	v11 =	vld [tilespmem:s7+$0x16450]  }
0xdc: {  	s1 =	simm.s32 $0x400;
	s0 =	simm.s32 $0x80;
	v6 =	vadd.f32 v22, v6;
	v7 =	vadd.f32 v12, v7;
	v12 =	vld [tilespmem:s7+$0x16460]  }
.LBB2_13:
0xdd: {  	p0 =	sne.s32 s1, $0x1FE00;
	v13 =	vld [tilespmem:s0+$0x16470];
	v5 =	vadd.f32 v8, v5  }
0xde: {  	v14 =	vld [tilespmem:s0+$0x16400];
	v0 =	vadd.f32 v9, v0  }
0xdf: {  	v15 =	vld [tilespmem:s0+$0x16410];
	v3 =	vadd.f32 v10, v3  }
.Ltmp5:
0xe0: {  	v8 =	vld [tilespmem:s0+$0x16420];
	v1 =	vadd.f32 v11, v1;
	(pc) =	sbr.rel @p0 .LBB2_13-.Ltmp5, $4  }
0xe1: {  	v9 =	vld [tilespmem:s0+$0x16430];
	v4 =	vadd.f32 v12, v4  }
0xe2: {  	v10 =	vld [tilespmem:s0+$0x16440];
	v2 =	vadd.f32 v13, v2  }
0xe3: {  	v6 =	vadd.f32 v14, v6;
	v11 =	vld [tilespmem:s0+$0x16450]  }
0xe4: {  	v7 =	vadd.f32 v15, v7;
	v12 =	vld [tilespmem:s0+$0x16460];
	s0 =	sshra.s32 s1, $0x2;
	s1 =	sadd.s32 $0x200, s1  }
0xe5: {  	v13 =	vld [tilespmem:s0+$0x16470]  }
0xe6: {  	v14 =	vld [tilespmem:s0+$0x16400]  }
0xe7: {  	v15 =	vld [tilespmem:s0+$0x16410]  }
0xe8: {  	v16 =	vld [tilespmem:s0+$0x16420]  }
0xe9: {  	v17 =	vld [tilespmem:s0+$0x16430]  }
0xea: {  	v18 =	vld [tilespmem:s0+$0x16440]  }
0xeb: {  	v19 =	vld [tilespmem:s0+$0x16450];
	v8 =	vadd.f32 v8, v5;
	s26 =	sadd.s32 $0x1, s26  }
0xec: {  	v20 =	vld [tilespmem:s0+$0x16460];
	_ =	swait.ge [sflag:s31], $0x8000;
	v0 =	vadd.f32 v9, v0;
	p0 =	sne.s32 s26, $0x20;
	v3 =	vadd.f32 v10, v3  }
.Ltmp6:
0xed: {  	[sflag:s31] =	ssyncset.done $0x0;
	v62 =	vadd.f32 v11, v1;
	v63 =	vadd.f32 v12, v4;
	(pc) =	sbr.rel @p0 .LBB2_8-.Ltmp6, $4  }
0xee: {  	s21 =	sadd.s32 $0x400, s29;
	[sflag:s31] =	ssyncadd.s32 $0xFFFF8000;
	v5 =	vadd.f32 v13, v2;
	v6 =	vadd.f32 v14, v6  }
0xef: {  	[tilespmem:s22], [sflag:$0x1] =	stream.indirect.gather [hbm4b:s5+s18], $0x80, s21, s18, $0xb8;
	v7 =	vadd.f32 v15, v7;
	v1 =	vadd.f32 v16, v8;
	[tilespmem:$0x1E480] =	vst v63  }
0xf0: {  	s29 =	sadd.s32 $0x480, s29;
	v4 =	vadd.f32 v17, v0;
	v2 =	vadd.f32 v18, v3  }
0xf1: {  	[tilespmem:s24], [sflag:$0x1] =	stream.indirect.gather [hbm4b:s5+s18], $0x80, s29, s18, $0xb8;
	v3 =	vadd.f32 v19, v62;
	v0 =	vadd.f32 v20, v63;
	[tilespmem:$0x1E480] =	vst v63  }
0xf2: {  	_ =	swait.ge [sflag:s25], $0x4000  }
0xf3: {  	[sflag:s25] =	ssyncset.done $0x0  }
0xf4: {  	[sflag:s25] =	ssyncadd.s32 $0xFFFFC000  }
0xf5: {  	_ =	swait.ge [sflag:s25], $0x4000  }
0xf6: {  	[sflag:s25] =	ssyncset.done $0x0  }
0xf7: {  	s0 =	simm.s32 $0x0;
	s7 =	simm.s32 $0x0;
	[sflag:s25] =	ssyncadd.s32 $0xFFFFC000  }
0xf8: {  	[hbm4b:s11+s0] =	stream.linear.scatter [tilespmem:s19], [sflag:$0x2], $0x8000, $0x38;
	[tilespmem:$0x1E480] =	vst v63  }
0xf9: {  	v11 =	vld [tilespmem:s7+$0x6470]  }
0xfa: {  	v12 =	vld [tilespmem:s7+$0x6400]  }
0xfb: {  	v13 =	vld [tilespmem:s7+$0x6410]  }
0xfc: {  	v9 =	vld [tilespmem:s7+$0x6420]  }
0xfd: {  	v10 =	vld [tilespmem:s7+$0x6430]  }
0xfe: {  	v8 =	vld [tilespmem:s7+$0x6440]  }
0xff: {  	v5 =	vadd.f32 v11, v5;
	v11 =	vld [tilespmem:s7+$0x6450]  }
0x100: {  	s1 =	simm.s32 $0x400;
	s0 =	simm.s32 $0x80;
	v6 =	vadd.f32 v12, v6;
	v7 =	vadd.f32 v13, v7;
	v12 =	vld [tilespmem:s7+$0x6460]  }
.LBB2_16:
0x101: {  	p0 =	sne.s32 s1, $0x1FE00;
	v13 =	vld [tilespmem:s0+$0x6470];
	v1 =	vadd.f32 v9, v1  }
0x102: {  	v14 =	vld [tilespmem:s0+$0x6400];
	v4 =	vadd.f32 v10, v4  }
0x103: {  	v15 =	vld [tilespmem:s0+$0x6410];
	v2 =	vadd.f32 v8, v2  }
.Ltmp7:
0x104: {  	v9 =	vld [tilespmem:s0+$0x6420];
	v3 =	vadd.f32 v11, v3;
	(pc) =	sbr.rel @p0 .LBB2_16-.Ltmp7, $4  }
0x105: {  	v10 =	vld [tilespmem:s0+$0x6430];
	v0 =	vadd.f32 v12, v0  }
0x106: {  	v8 =	vld [tilespmem:s0+$0x6440];
	v5 =	vadd.f32 v13, v5  }
0x107: {  	v6 =	vadd.f32 v14, v6;
	v11 =	vld [tilespmem:s0+$0x6450]  }
0x108: {  	v7 =	vadd.f32 v15, v7;
	v12 =	vld [tilespmem:s0+$0x6460];
	s0 =	sshra.s32 s1, $0x2;
	s1 =	sadd.s32 $0x200, s1  }
0x109: {  	v13 =	vld [tilespmem:s0+$0x6470]  }
0x10a: {  	v14 =	vld [tilespmem:s0+$0x6400]  }
0x10b: {  	v15 =	vld [tilespmem:s0+$0x6410]  }
0x10c: {  	v16 =	vld [tilespmem:s0+$0x6420]  }
0x10d: {  	v17 =	vld [tilespmem:s0+$0x6430]  }
0x10e: {  	v18 =	vld [tilespmem:s0+$0x6440]  }
0x10f: {  	v19 =	vld [tilespmem:s0+$0x6450]  }
0x110: {  	v20 =	vld [tilespmem:s0+$0x6460];
	_ =	swait.ge [sflag:s31], $0x8000  }
0x111: {  	[sflag:s31] =	ssyncset.done $0x0  }
0x112: {  	s21 =	simm.s32 $0x6200;
	[sflag:s31] =	ssyncadd.s32 $0xFFFF8000  }
0x113: {  	[tilespmem:s28], [sflag:$0x1] =	stream.indirect.gather [hbm4b:s5+s18], $0x80, s21, s18, $0xb8;
	[tilespmem:$0x1E480] =	vst v63  }
0x114: {  	s26 =	simm.s32 $0x6280  }
0x115: {  	[tilespmem:s30], [sflag:$0x1] =	stream.indirect.gather [hbm4b:s5+s18], $0x80, s26, s18, $0xb8;
	[tilespmem:$0x1E480] =	vst v63  }
0x116: {  	_ =	swait.ge [sflag:s25], $0x4000  }
0x117: {  	[sflag:s25] =	ssyncset.done $0x0  }
0x118: {  	[sflag:s25] =	ssyncadd.s32 $0xFFFFC000  }
0x119: {  	_ =	swait.ge [sflag:s25], $0x4000  }
0x11a: {  	[sflag:s25] =	ssyncset.done $0x0  }
0x11b: {  	s29 =	simm.s32 $0x0;
	s7 =	simm.s32 $0x0;
	[sflag:s25] =	ssyncadd.s32 $0xFFFFC000  }
0x11c: {  	[hbm4b:s12+s29] =	stream.linear.scatter [tilespmem:s22], [sflag:$0x2], $0x8000, $0x38;
	[tilespmem:$0x1E480] =	vst v63  }
0x11d: {  	v1 =	vadd.f32 v9, v1;
	v4 =	vadd.f32 v10, v4;
	v21 =	vld [tilespmem:s7+$0xE470]  }
0x11e: {  	v2 =	vadd.f32 v8, v2;
	v3 =	vadd.f32 v11, v3;
	v22 =	vld [tilespmem:s7+$0xE400]  }
0x11f: {  	v11 =	vadd.f32 v12, v0;
	v5 =	vadd.f32 v13, v5;
	v12 =	vld [tilespmem:s7+$0xE410]  }
0x120: {  	v6 =	vadd.f32 v14, v6;
	v7 =	vadd.f32 v15, v7;
	v8 =	vld [tilespmem:s7+$0xE420]  }
0x121: {  	v0 =	vadd.f32 v16, v1;
	v1 =	vadd.f32 v17, v4;
	v9 =	vld [tilespmem:s7+$0xE430]  }
0x122: {  	v2 =	vadd.f32 v18, v2;
	v3 =	vadd.f32 v19, v3;
	v10 =	vld [tilespmem:s7+$0xE440]  }
0x123: {  	v4 =	vadd.f32 v20, v11;
	v11 =	vld [tilespmem:s7+$0xE450];
	v5 =	vadd.f32 v21, v5  }
0x124: {  	s0 =	simm.s32 $0x80;
	s1 =	simm.s32 $0x400;
	v6 =	vadd.f32 v22, v6;
	v7 =	vadd.f32 v12, v7;
	v12 =	vld [tilespmem:s7+$0xE460]  }
.LBB2_18:
0x125: {  	p0 =	sne.s32 s1, $0x1FE00;
	v13 =	vld [tilespmem:s0+$0xE470];
	v0 =	vadd.f32 v8, v0  }
0x126: {  	v14 =	vld [tilespmem:s0+$0xE400];
	v1 =	vadd.f32 v9, v1  }
0x127: {  	v15 =	vld [tilespmem:s0+$0xE410];
	v2 =	vadd.f32 v10, v2  }
.Ltmp8:
0x128: {  	v8 =	vld [tilespmem:s0+$0xE420];
	v3 =	vadd.f32 v11, v3;
	(pc) =	sbr.rel @p0 .LBB2_18-.Ltmp8, $4  }
0x129: {  	v9 =	vld [tilespmem:s0+$0xE430];
	v4 =	vadd.f32 v12, v4  }
0x12a: {  	v10 =	vld [tilespmem:s0+$0xE440];
	v5 =	vadd.f32 v13, v5  }
0x12b: {  	v6 =	vadd.f32 v14, v6;
	v11 =	vld [tilespmem:s0+$0xE450]  }
0x12c: {  	v7 =	vadd.f32 v15, v7;
	v12 =	vld [tilespmem:s0+$0xE460];
	s0 =	sshra.s32 s1, $0x2;
	s1 =	sadd.s32 $0x200, s1  }
0x12d: {  	v13 =	vld [tilespmem:s0+$0xE470]  }
0x12e: {  	v14 =	vld [tilespmem:s0+$0xE400]  }
0x12f: {  	v15 =	vld [tilespmem:s0+$0xE410]  }
0x130: {  	v16 =	vld [tilespmem:s0+$0xE420]  }
0x131: {  	v17 =	vld [tilespmem:s0+$0xE430]  }
0x132: {  	v18 =	vld [tilespmem:s0+$0xE440]  }
0x133: {  	v19 =	vld [tilespmem:s0+$0xE450]  }
0x134: {  	v20 =	vld [tilespmem:s0+$0xE460];
	_ =	swait.ge [sflag:s31], $0x8000  }
0x135: {  	[sflag:s31] =	ssyncset.done $0x0  }
0x136: {  	s21 =	simm.s32 $0x6300;
	[sflag:s31] =	ssyncadd.s32 $0xFFFF8000  }
0x137: {  	[tilespmem:s19], [sflag:$0x1] =	stream.indirect.gather [hbm4b:s5+s18], $0x80, s21, s18, $0xb8;
	[tilespmem:$0x1E480] =	vst v63  }
0x138: {  	s26 =	simm.s32 $0x6380  }
0x139: {  	[tilespmem:s20], [sflag:$0x1] =	stream.indirect.gather [hbm4b:s5+s18], $0x80, s26, s18, $0xb8;
	[tilespmem:$0x1E480] =	vst v63  }
0x13a: {  	_ =	swait.ge [sflag:s25], $0x4000  }
0x13b: {  	[sflag:s25] =	ssyncset.done $0x0  }
0x13c: {  	[sflag:s25] =	ssyncadd.s32 $0xFFFFC000  }
0x13d: {  	_ =	swait.ge [sflag:s25], $0x4000  }
0x13e: {  	[sflag:s25] =	ssyncset.done $0x0  }
0x13f: {  	s29 =	simm.s32 $0x0;
	s7 =	simm.s32 $0x0;
	[sflag:s25] =	ssyncadd.s32 $0xFFFFC000  }
0x140: {  	[hbm4b:s13+s29] =	stream.linear.scatter [tilespmem:s28], [sflag:$0x2], $0x8000, $0x38;
	[tilespmem:$0x1E480] =	vst v63  }
0x141: {  	v0 =	vadd.f32 v8, v0;
	v1 =	vadd.f32 v9, v1;
	v21 =	vld [tilespmem:s7+$0x16470]  }
0x142: {  	v2 =	vadd.f32 v10, v2;
	v3 =	vadd.f32 v11, v3;
	v22 =	vld [tilespmem:s7+$0x16400]  }
0x143: {  	v4 =	vadd.f32 v12, v4;
	v5 =	vadd.f32 v13, v5;
	v12 =	vld [tilespmem:s7+$0x16410]  }
0x144: {  	v6 =	vadd.f32 v14, v6;
	v7 =	vadd.f32 v15, v7;
	v8 =	vld [tilespmem:s7+$0x16420]  }
0x145: {  	v0 =	vadd.f32 v16, v0;
	v1 =	vadd.f32 v17, v1;
	v9 =	vld [tilespmem:s7+$0x16430]  }
0x146: {  	v2 =	vadd.f32 v18, v2;
	v3 =	vadd.f32 v19, v3;
	v10 =	vld [tilespmem:s7+$0x16440]  }
0x147: {  	v4 =	vadd.f32 v20, v4;
	v11 =	vld [tilespmem:s7+$0x16450];
	v5 =	vadd.f32 v21, v5  }
0x148: {  	s0 =	simm.s32 $0x80;
	s1 =	simm.s32 $0x400;
	v6 =	vadd.f32 v22, v6;
	v7 =	vadd.f32 v12, v7;
	v12 =	vld [tilespmem:s7+$0x16460]  }
.LBB2_20:
0x149: {  	p0 =	sne.s32 s1, $0x1FE00;
	v13 =	vld [tilespmem:s0+$0x16470];
	v0 =	vadd.f32 v8, v0  }
0x14a: {  	v14 =	vld [tilespmem:s0+$0x16400];
	v1 =	vadd.f32 v9, v1  }
0x14b: {  	v15 =	vld [tilespmem:s0+$0x16410];
	v2 =	vadd.f32 v10, v2  }
.Ltmp9:
0x14c: {  	v8 =	vld [tilespmem:s0+$0x16420];
	v3 =	vadd.f32 v11, v3;
	(pc) =	sbr.rel @p0 .LBB2_20-.Ltmp9, $4  }
0x14d: {  	v9 =	vld [tilespmem:s0+$0x16430];
	v4 =	vadd.f32 v12, v4  }
0x14e: {  	v10 =	vld [tilespmem:s0+$0x16440];
	v5 =	vadd.f32 v13, v5  }
0x14f: {  	v6 =	vadd.f32 v14, v6;
	v11 =	vld [tilespmem:s0+$0x16450]  }
0x150: {  	v7 =	vadd.f32 v15, v7;
	v12 =	vld [tilespmem:s0+$0x16460];
	s0 =	sshra.s32 s1, $0x2;
	s1 =	sadd.s32 $0x200, s1  }
0x151: {  	v13 =	vld [tilespmem:s0+$0x16470]  }
0x152: {  	v14 =	vld [tilespmem:s0+$0x16400]  }
0x153: {  	v15 =	vld [tilespmem:s0+$0x16410]  }
0x154: {  	v16 =	vld [tilespmem:s0+$0x16420]  }
0x155: {  	v17 =	vld [tilespmem:s0+$0x16430]  }
0x156: {  	v18 =	vld [tilespmem:s0+$0x16440]  }
0x157: {  	v19 =	vld [tilespmem:s0+$0x16450]  }
0x158: {  	v20 =	vld [tilespmem:s0+$0x16460];
	_ =	swait.ge [sflag:s31], $0x8000  }
0x159: {  	[sflag:s31] =	ssyncset.done $0x0  }
0x15a: {  	[sflag:s31] =	ssyncadd.s32 $0xFFFF8000  }
0x15b: {  	_ =	swait.ge [sflag:s25], $0x4000  }
0x15c: {  	[sflag:s25] =	ssyncset.done $0x0  }
0x15d: {  	[sflag:s25] =	ssyncadd.s32 $0xFFFFC000  }
0x15e: {  	_ =	swait.ge [sflag:s25], $0x4000  }
0x15f: {  	[sflag:s25] =	ssyncset.done $0x0  }
0x160: {  	s29 =	simm.s32 $0x0;
	s7 =	simm.s32 $0x0;
	[sflag:s25] =	ssyncadd.s32 $0xFFFFC000  }
0x161: {  	[hbm4b:s14+s29] =	stream.linear.scatter [tilespmem:s19], [sflag:$0x2], $0x8000, $0x38;
	[tilespmem:$0x1E480] =	vst v63  }
0x162: {  	v0 =	vadd.f32 v8, v0;
	v1 =	vadd.f32 v9, v1;
	v8 =	vld [tilespmem:s7+$0x6470]  }
0x163: {  	v2 =	vadd.f32 v10, v2;
	v11 =	vadd.f32 v11, v3;
	v21 =	vld [tilespmem:s7+$0x6400]  }
0x164: {  	v12 =	vadd.f32 v12, v4;
	v13 =	vadd.f32 v13, v5;
	v22 =	vld [tilespmem:s7+$0x6410]  }
0x165: {  	v14 =	vadd.f32 v14, v6;
	v15 =	vadd.f32 v15, v7;
	v10 =	vld [tilespmem:s7+$0x6420]  }
0x166: {  	v5 =	vadd.f32 v16, v0;
	v4 =	vadd.f32 v17, v1;
	v9 =	vld [tilespmem:s7+$0x6430]  }
0x167: {  	v3 =	vadd.f32 v18, v2;
	v2 =	vadd.f32 v19, v11;
	v6 =	vld [tilespmem:s7+$0x6440]  }
0x168: {  	v1 =	vadd.f32 v20, v12;
	v7 =	vld [tilespmem:s7+$0x6450];
	v0 =	vadd.f32 v8, v13  }
0x169: {  	s1 =	simm.s32 $0x80;
	s0 =	simm.s32 $0x400;
	v11 =	vadd.f32 v21, v14;
	v12 =	vadd.f32 v22, v15;
	v8 =	vld [tilespmem:s7+$0x6460]  }
.LBB2_22:
0x16a: {  	p0 =	sne.s32 s0, $0x1FE00;
	v13 =	vld [tilespmem:s1+$0x6470];
	v5 =	vadd.f32 v10, v5  }
0x16b: {  	v14 =	vld [tilespmem:s1+$0x6400];
	v4 =	vadd.f32 v9, v4  }
0x16c: {  	v15 =	vld [tilespmem:s1+$0x6410];
	v3 =	vadd.f32 v6, v3  }
.Ltmp10:
0x16d: {  	v10 =	vld [tilespmem:s1+$0x6420];
	v2 =	vadd.f32 v7, v2;
	(pc) =	sbr.rel @p0 .LBB2_22-.Ltmp10, $4  }
0x16e: {  	v9 =	vld [tilespmem:s1+$0x6430];
	v1 =	vadd.f32 v8, v1  }
0x16f: {  	v6 =	vld [tilespmem:s1+$0x6440];
	v0 =	vadd.f32 v13, v0  }
0x170: {  	v11 =	vadd.f32 v14, v11;
	v7 =	vld [tilespmem:s1+$0x6450]  }
0x171: {  	v12 =	vadd.f32 v15, v12;
	v8 =	vld [tilespmem:s1+$0x6460];
	s1 =	sshra.s32 s0, $0x2;
	s0 =	sadd.s32 $0x200, s0  }
0x172: {  	v13 =	vld [tilespmem:s1+$0x6400]  }
0x173: {  	v14 =	vld [tilespmem:s1+$0x6410];
	_ =	sdelay $0x1  }
0x174: {  	v15 =	vld [tilespmem:s1+$0x6420];
	_ =	sdelay $0x1  }
0x175: {  	v5 =	vadd.f32 v10, v5;
	v59 =	vld [tilespmem:s1+$0x6430]  }
0x176: {  	v11 =	vadd.f32 v13, v11;
	v12 =	vadd.f32 v14, v12  }
0x177: {  	v60 =	vld [tilespmem:s1+$0x6440];
	v4 =	vadd.f32 v9, v4  }
0x178: {  	v5 =	vadd.f32 v15, v5;
	v11 =	vadd.f32 v12, v11  }
0x179: {  	v61 =	vld [tilespmem:s1+$0x6450];
	v3 =	vadd.f32 v6, v3  }
0x17a: {  	v4 =	vadd.f32 v59, v4;
	v5 =	vadd.f32 v5, v11  }
0x17b: {  	v62 =	vld [tilespmem:s1+$0x6460];
	v2 =	vadd.f32 v7, v2  }
0x17c: {  	v3 =	vadd.f32 v60, v3;
	v4 =	vadd.f32 v4, v5  }
0x17d: {  	v63 =	vld [tilespmem:s1+$0x6470];
	v1 =	vadd.f32 v8, v1  }
0x17e: {  	v2 =	vadd.f32 v61, v2;
	v3 =	vadd.f32 v3, v4;
	_ =	sdelay $0x1  }
0x17f: {  	_ =	swait.ge [sflag:s31], $0x8000;
	v1 =	vadd.f32 v62, v1;
	v2 =	vadd.f32 v2, v3  }
0x180: {  	[sflag:s31] =	ssyncset.done $0x0  }
0x181: {  	[sflag:s31] =	ssyncadd.s32 $0xFFFF8000;
	v0 =	vadd.f32 v63, v0;
	v1 =	vadd.f32 v1, v2  }
0x182: {  	_ =	swait.ge [sflag:s31], $0x8000  }
0x183: {  	s23 =	sadd.s32 $0x1, s23;
	[sflag:s31] =	ssyncset.done $0x0;
	v0 =	vadd.f32 v0, v1  }
0x184: {  	p0 =	sne.s32 s23, s16;
	[sflag:s31] =	ssyncadd.s32 $0xFFFF8000  }
.Ltmp11:
0x185: {  	s0 =	simm.s32 $0x1E400;
	[tilespmem:$0x1E400] =	vst v0;
	(pc) =	sbr.rel @p0 .LBB2_1-.Ltmp11, $4  }
0x186: {  	[hbm4b:s15+s3] =	stream.linear.scatter [tilespmem:s0], [sflag:$0x3], $0x10, $0x38;
	[tilespmem:$0x1E480] =	vst v63  }
0x187: {  	_ =	swait.ge [sflag:s17], $0x10  }
0x188: {  	[sflag:s17] =	ssyncset.done $0x0  }
0x189: {  	[sflag:s17] =	ssyncadd.s32 $0xFFFFFFF0  }
0x18a: {  	_ =	sfence.sel $0x180000  }
0x18b: {  	[bflag:$0x0] =	sbarrier.arrive $0xFFFF  }
0x18c: {  	_ =	strace $0x90000047  }
0x18d: {  	s0 =	stileid.u32;
	[bflag:$0x2] =	sbarrier.arrive $0xFFFF  }
0x18e: {  	p0 =	sne.s32 s0, $0x0;
	s0 =	rddreg [dreg:$0x2]  }
0x18f: {  	s0 =	sadd.s32 @!p0 $0x100000, s0  }
0x190: {  	[sflag:s0] =	ssyncadd.tile.s32 @!p0 $0x1;
	_ =	shalt  }
.Lfunc_end2:
_tile_overlayer_lowered:
.L_overlay_start_2:
0x191: {  	(tag) =	ssettag $0x2  }
0x192: {  	s0 =	rddreg [dreg:$0x0];
	s2 =	stileid.u32  }
0x193: {  	s1 =	rddreg [dreg:$0x1];
	p0 =	sne.s32 s2, $0x0  }
0x194: {  	s3 =	rddreg [dreg:$0x2];
	[bflag:$0x3] =	sbarrier.arrive $0xFFFF;
	s2 =	simm.s32 @!p0 $0x1C03  }
0x195: {  	[timem:s3], [sflag:s2] =	dma.local @!p0 [hbm:s0], s1  }
0x196: {  	s0 =	simm.s32 @!p0 $0x3  }
0x197: {  	_ =	swait.ge @!p0 [sflag:s0], s1  }
0x198: {  	s1 =	ssub.s32 @!p0 $0x0, s1;
	[sflag:s0] =	ssyncset.done @!p0 $0x0  }
0x199: {  	[sflag:s0] =	ssyncadd.s32 @!p0 s1  }
0x19a: {  	[bflag:$0x3] =	sbarrier.arrive $0xFFFF  }
0x19b: {  	_ =	shalt  }

</sc_bundles>
